<compile_context>
chip_gen: v7x
topology: tpu7x:2x2x1
jax: 0.10.2.dev20260603
libtpu: 0.0.44.dev20260713+nightly
codegen_flags: <defaults>
</compile_context>

<pallas_src>
import functools

import jax
import jax.numpy as jnp
from jax import lax
from jax.experimental import pallas as pl
from jax.experimental.pallas import tpu as pltpu
from jax.experimental.pallas import tpu_sc as plsc

N_NODES = 10000
N_EDGES = 320000
CH = 128

NC = 2
NS = 16
NW = NC * NS
CHUNK = 80
E_PER_TILE = N_EDGES // NW
NCH = E_PER_TILE // CHUNK
IB = 5
IBE = IB * CHUNK
NBLK = NCH // IB
GDEPTH = 3
N_PAD = 10240
ROWS_PER_TILE = N_PAD // NS
LANES = 16


_mesh = plsc.VectorSubcoreMesh(core_axis_name="c", subcore_axis_name="s")


@functools.partial(
    pl.kernel,
    out_type=jax.ShapeDtypeStruct((NC, N_PAD, CH), jnp.float32),
    mesh=_mesh,
    scratch_types=[
        pltpu.VMEM((3 * IBE,), jnp.int32),
        pltpu.VMEM((3 * IBE,), jnp.int32),
        pltpu.VMEM((IB, CHUNK), jnp.int32),
        pltpu.VMEM((4, CHUNK, CH), jnp.float32),
        pltpu.VMEM_SHARED((N_PAD, CH), jnp.float32),
        pltpu.SemaphoreType.DMA,
        pltpu.SemaphoreType.DMA,
    ],
)
def _sc_segment_sum(row_hbm, col_hbm, x_hbm, out_hbm,
                    rowv, colv, rowv2, rows, acc, isem, gsem):
    c = lax.axis_index("c")
    s = lax.axis_index("s")
    cbase = (c * NS + s) * E_PER_TILE

    with jax.named_scope("zero_init"):
        def _zero_row(i, carry):
            zero = jnp.zeros((LANES,), jnp.float32)
            for j in range(CH // LANES):
                rows[0, i, pl.ds(j * LANES, LANES)] = zero
            return carry
        lax.fori_loop(0, CHUNK, _zero_row, 0)
        for k in range(ROWS_PER_TILE // CHUNK):
            pltpu.sync_copy(rows.at[0],
                            acc.at[pl.ds(s * ROWS_PER_TILE + k * CHUNK, CHUNK)])
        plsc.subcore_barrier()

    edge_scope = jax.named_scope("edge_loop")
    edge_scope.__enter__()
    pltpu.async_copy(row_hbm.at[pl.ds(cbase, IBE)], rowv.at[pl.ds(0, IBE)],
                     isem)
    pltpu.async_copy(col_hbm.at[pl.ds(cbase, IBE)], colv.at[pl.ds(0, IBE)],
                     isem)
    pltpu.async_copy(row_hbm.at[pl.ds(cbase + IBE, IBE)],
                     rowv.at[pl.ds(IBE, IBE)], isem)
    pltpu.async_copy(col_hbm.at[pl.ds(cbase + IBE, IBE)],
                     colv.at[pl.ds(IBE, IBE)], isem)
    pltpu.make_async_copy(row_hbm.at[pl.ds(cbase, IBE)],
                          rowv.at[pl.ds(0, IBE)], isem).wait()
    pltpu.make_async_copy(col_hbm.at[pl.ds(cbase, IBE)],
                          colv.at[pl.ds(0, IBE)], isem).wait()
    for g in range(GDEPTH):
        pltpu.async_copy(x_hbm.at[colv.at[pl.ds(g * CHUNK, CHUNK)]],
                         rows.at[g], gsem)

    def _block(b, carry):
        boff = lax.rem(b, 3) * IBE

        @pl.when(b + 1 <= NBLK - 1)
        def _wait_next_idx():
            noff = lax.rem(b + 1, 3) * IBE
            pltpu.make_async_copy(row_hbm.at[pl.ds(cbase, IBE)],
                                  rowv.at[pl.ds(noff, IBE)], isem).wait()
            pltpu.make_async_copy(col_hbm.at[pl.ds(cbase, IBE)],
                                  colv.at[pl.ds(noff, IBE)], isem).wait()

        @pl.when(b + 2 <= NBLK - 1)
        def _prefetch_idx():
            nb = b + 2
            noff = lax.rem(nb, 3) * IBE
            pltpu.async_copy(row_hbm.at[pl.ds(cbase + nb * IBE, IBE)],
                             rowv.at[pl.ds(noff, IBE)], isem)
            pltpu.async_copy(col_hbm.at[pl.ds(cbase + nb * IBE, IBE)],
                             colv.at[pl.ds(noff, IBE)], isem)

        for j in range(IB):
            for k in range(CHUNK // LANES):
                rowv2[j, pl.ds(k * LANES, LANES)] = (
                    rowv[pl.ds(boff + j * CHUNK + k * LANES, LANES)])

        def _chunk(i, carry2):
            g = b * IB + i
            pltpu.make_async_copy(
                x_hbm.at[colv.at[pl.ds(boff + i * CHUNK, CHUNK)]],
                rows.at[lax.rem(g, 4)], gsem).wait()
            gg = g + GDEPTH

            @pl.when(gg <= NCH - 1)
            def _issue_gather():
                goff = (lax.rem(lax.div(gg, IB), 3) * IBE
                        + lax.rem(gg, IB) * CHUNK)
                pltpu.async_copy(
                    x_hbm.at[colv.at[pl.ds(goff, CHUNK)]],
                    rows.at[lax.rem(gg, 4)], gsem)

            pltpu.sync_copy(rows.at[lax.rem(g, 4)], acc.at[rowv2.at[i]],
                            add=True)
            return carry2
        lax.fori_loop(0, IB, _chunk, 0)
        return carry
    lax.fori_loop(0, NBLK, _block, 0)
    edge_scope.__exit__(None, None, None)

    with jax.named_scope("writeback"):
        plsc.subcore_barrier()
        pltpu.sync_copy(acc.at[pl.ds(s * ROWS_PER_TILE, ROWS_PER_TILE)],
                        out_hbm.at[c, pl.ds(s * ROWS_PER_TILE, ROWS_PER_TILE)])


TC_BLOCK = 2000


def _tc_matmul_body(p_ref, w_ref, o_ref):
    seg = p_ref[0] + p_ref[1]
    o_ref[...] = lax.dot_general(
        seg, w_ref[...], (((1,), (1,)), ((), ())),
        preferred_element_type=jnp.float32)


def kernel(x, edge_index, edge_attr, W_fc, W_edge, W_att):
    row = edge_index[0].astype(jnp.int32)
    col = edge_index[1].astype(jnp.int32)
    partials = _sc_segment_sum(row, col, x)
    z = pl.pallas_call(
        _tc_matmul_body,
        grid=(N_NODES // TC_BLOCK,),
        in_specs=[
            pl.BlockSpec((2, TC_BLOCK, CH), lambda i: (0, i, 0)),
            pl.BlockSpec((CH, CH), lambda i: (0, 0)),
        ],
        out_specs=pl.BlockSpec((TC_BLOCK, CH), lambda i: (i, 0)),
        out_shape=jax.ShapeDtypeStruct((N_NODES, CH), jnp.float32),
    )(partials, W_fc)
    return z

# --- scband reference (transcript-rebuilt; emitter-appended) ---
"""Pipeline reference for scband-egat-77790447665586 (READ-ONLY COPY).

The authoritative reference and input builder live on the scoring server;
editing this copy changes nothing except your own understanding.
"""

import jax, jax.numpy as jnp
import numpy as np

N_NODES = 10000
N_EDGES = 320000
IN_CH = 128
OUT_CH = 128


def setup_inputs(seed: int = 0) -> dict:
    key = jax.random.key(seed)
    k1, k2, k3, k4, k5, k6 = jax.random.split(key, 6)
    x = jax.random.normal(k1, (N_NODES, IN_CH), dtype=jnp.float32)
    edge_index = jax.random.randint(k2, (2, N_EDGES), 0, N_NODES, dtype=jnp.int64)
    edge_attr = jax.random.normal(k3, (N_EDGES, 1), dtype=jnp.float32)
    # Learned parameters, torch Linear convention: weight shape (out_features, in_features)
    bound_fc = 1.0 / np.sqrt(IN_CH)
    W_fc = jax.random.uniform(k4, (OUT_CH, IN_CH), dtype=jnp.float32, minval=-bound_fc, maxval=bound_fc)
    W_edge = jax.random.uniform(k5, (3, 1), dtype=jnp.float32, minval=-bound_fc, maxval=bound_fc)
    W_att = jax.random.uniform(k6, (1, 2 * OUT_CH + 3), dtype=jnp.float32, minval=-bound_fc, maxval=bound_fc)
    return {"x": x, "edge_index": edge_index, "edge_attr": edge_attr,
            "W_fc": W_fc, "W_edge": W_edge, "W_att": W_att}


def reference(x, edge_index, edge_attr, W_fc, W_edge, W_att):
    row = edge_index[0]
    col = edge_index[1]
    num_node = x.shape[0]
    if edge_attr.ndim == 1:
        edge_attr = edge_attr[:, None]
    # gather node features along edges, then project
    xcol = jnp.take(x, col, axis=0) @ W_fc.T   # [E, out]
    xrow = jnp.take(x, row, axis=0) @ W_fc.T   # [E, out]
    ed = edge_attr @ W_edge.T                   # [E, 3]
    a = jnp.concatenate([xrow, xcol, ed], axis=1)  # [E, 2*out+3]
    a = a @ W_att.T                             # [E, 1]
    e = jax.nn.leaky_relu(a, negative_slope=0.01)
    # faithful to torch: softmax over dim=1 of size 1 -> all ones
    alpha = jax.nn.softmax(e, axis=1)
    h = alpha * xcol                            # [E, out]
    z = jnp.zeros((num_node, xcol.shape[1]), dtype=h.dtype).at[row].add(h)
    return z

if __name__ == "__main__":
    import jax
    _d = setup_inputs()
    print(jax.jit(kernel)(*tuple(_d.values())))

</pallas_src>

<mosaic_0001>
#map = affine_map<(d0, d1) -> (0)>
#map1 = affine_map<(d0, d1) -> (0, 0)>
#map2 = affine_map<(d0, d1) -> (0, 0, 0)>
module attributes {stable_mosaic.version = 14 : i64} {
  func.func @_sc_segment_sum(%arg0: i32, %arg1: i32, %arg2: memref<320000xi32, #tpu.memory_space<hbm>>, %arg3: memref<320000xi32, #tpu.memory_space<hbm>>, %arg4: memref<10000x128xf32, #tpu.memory_space<hbm>>, %arg5: memref<2x10240x128xf32, #tpu.memory_space<hbm>>, %arg6: memref<1200xi32, #tpu.memory_space<vmem>>, %arg7: memref<1200xi32, #tpu.memory_space<vmem>>, %arg8: memref<5x80xi32, #tpu.memory_space<vmem>>, %arg9: memref<4x80x128xf32, #tpu.memory_space<vmem>>, %arg10: memref<10240x128xf32, #tpu.memory_space<vmem_shared>>, %arg11: memref<!tpu.dma_semaphore, #tpu.memory_space<semaphore_mem>>, %arg12: memref<!tpu.dma_semaphore, #tpu.memory_space<semaphore_mem>>) attributes {dimension_semantics = [#tpu.dimension_semantics<core_parallel>, #tpu.dimension_semantics<subcore_parallel>], iteration_bounds = array<i64: 2, 16>, scalar_prefetch = 0 : i64, scratch_operands = 7 : i64, tpu.core_type = #tpu.core_type<sc_vector_subcore>, window_params = [{transform_indices = #map}, {transform_indices = #map}, {transform_indices = #map1}, {transform_indices = #map2}]} {
    %mul3A = arith.constant 16 : i32
    %mul3A_0 = arith.muli %arg0, %mul3A : i32
    %add3A = arith.addi %mul3A_0, %arg1 : i32
    %mul3A_1 = arith.constant 10000 : i32
    %mul3A_2 = arith.muli %add3A, %mul3A_1 : i32
    "tpu.trace_start"() <{level = 10 : i32, message = "zero_init"}> : () -> ()
    %scan3A = arith.constant 0 : i32
    %scan3A_3 = arith.constant 0 : i32
    %scan3A_4 = arith.constant 80 : i32
    %scan3A_5 = arith.addi %scan3A_3, %scan3A_4 : i32
    %scan3A_6 = arith.constant 1 : i32
    scf.for %scan3A_126 = %scan3A_3 to %scan3A_5 step %scan3A_6  : i32 {
      %broadcast_in_dim3A = arith.constant 0.000000e+00 : f32
      %broadcast_in_dim3A_127 = vector.broadcast %broadcast_in_dim3A : f32 to vector<16xf32>
      %swap3A = arith.constant 0 : i32
      %swap3A_128 = arith.index_cast %swap3A : i32 to index
      %swap3A_129 = arith.index_cast %scan3A_126 : i32 to index
      %swap3A_130 = arith.constant 0 : index
      %swap3A_131 = tpu.vector_load %arg9[%swap3A_128, %swap3A_129, %swap3A_130] {strides = array<i32>} : memref<4x80x128xf32, #tpu.memory_space<vmem>>, vector<1x1x16xf32>,
      %swap3A_132 = vector.shape_cast %swap3A_131 : vector<1x1x16xf32> to vector<16xf32>
      %swap3A_133 = vector.shape_cast %broadcast_in_dim3A_127 : vector<16xf32> to vector<1x1x16xf32>
      tpu.vector_store %arg9[%swap3A_128, %swap3A_129, %swap3A_130], %swap3A_133 {strides = array<i32>} : memref<4x80x128xf32, #tpu.memory_space<vmem>>, vector<1x1x16xf32>,
      %swap3A_134 = arith.constant 0 : i32
      %swap3A_135 = arith.index_cast %swap3A_134 : i32 to index
      %swap3A_136 = arith.index_cast %scan3A_126 : i32 to index
      %swap3A_137 = arith.constant 16 : index
      %swap3A_138 = tpu.vector_load %arg9[%swap3A_135, %swap3A_136, %swap3A_137] {strides = array<i32>} : memref<4x80x128xf32, #tpu.memory_space<vmem>>, vector<1x1x16xf32>,
      %swap3A_139 = vector.shape_cast %swap3A_138 : vector<1x1x16xf32> to vector<16xf32>
      %swap3A_140 = vector.shape_cast %broadcast_in_dim3A_127 : vector<16xf32> to vector<1x1x16xf32>
      tpu.vector_store %arg9[%swap3A_135, %swap3A_136, %swap3A_137], %swap3A_140 {strides = array<i32>} : memref<4x80x128xf32, #tpu.memory_space<vmem>>, vector<1x1x16xf32>,
      %swap3A_141 = arith.constant 0 : i32
      %swap3A_142 = arith.index_cast %swap3A_141 : i32 to index
      %swap3A_143 = arith.index_cast %scan3A_126 : i32 to index
      %swap3A_144 = arith.constant 32 : index
      %swap3A_145 = tpu.vector_load %arg9[%swap3A_142, %swap3A_143, %swap3A_144] {strides = array<i32>} : memref<4x80x128xf32, #tpu.memory_space<vmem>>, vector<1x1x16xf32>,
      %swap3A_146 = vector.shape_cast %swap3A_145 : vector<1x1x16xf32> to vector<16xf32>
      %swap3A_147 = vector.shape_cast %broadcast_in_dim3A_127 : vector<16xf32> to vector<1x1x16xf32>
      tpu.vector_store %arg9[%swap3A_142, %swap3A_143, %swap3A_144], %swap3A_147 {strides = array<i32>} : memref<4x80x128xf32, #tpu.memory_space<vmem>>, vector<1x1x16xf32>,
      %swap3A_148 = arith.constant 0 : i32
      %swap3A_149 = arith.index_cast %swap3A_148 : i32 to index
      %swap3A_150 = arith.index_cast %scan3A_126 : i32 to index
      %swap3A_151 = arith.constant 48 : index
      %swap3A_152 = tpu.vector_load %arg9[%swap3A_149, %swap3A_150, %swap3A_151] {strides = array<i32>} : memref<4x80x128xf32, #tpu.memory_space<vmem>>, vector<1x1x16xf32>,
      %swap3A_153 = vector.shape_cast %swap3A_152 : vector<1x1x16xf32> to vector<16xf32>
      %swap3A_154 = vector.shape_cast %broadcast_in_dim3A_127 : vector<16xf32> to vector<1x1x16xf32>
      tpu.vector_store %arg9[%swap3A_149, %swap3A_150, %swap3A_151], %swap3A_154 {strides = array<i32>} : memref<4x80x128xf32, #tpu.memory_space<vmem>>, vector<1x1x16xf32>,
      %swap3A_155 = arith.constant 0 : i32
      %swap3A_156 = arith.index_cast %swap3A_155 : i32 to index
      %swap3A_157 = arith.index_cast %scan3A_126 : i32 to index
      %swap3A_158 = arith.constant 64 : index
      %swap3A_159 = tpu.vector_load %arg9[%swap3A_156, %swap3A_157, %swap3A_158] {strides = array<i32>} : memref<4x80x128xf32, #tpu.memory_space<vmem>>, vector<1x1x16xf32>,
      %swap3A_160 = vector.shape_cast %swap3A_159 : vector<1x1x16xf32> to vector<16xf32>
      %swap3A_161 = vector.shape_cast %broadcast_in_dim3A_127 : vector<16xf32> to vector<1x1x16xf32>
      tpu.vector_store %arg9[%swap3A_156, %swap3A_157, %swap3A_158], %swap3A_161 {strides = array<i32>} : memref<4x80x128xf32, #tpu.memory_space<vmem>>, vector<1x1x16xf32>,
      %swap3A_162 = arith.constant 0 : i32
      %swap3A_163 = arith.index_cast %swap3A_162 : i32 to index
      %swap3A_164 = arith.index_cast %scan3A_126 : i32 to index
      %swap3A_165 = arith.constant 80 : index
      %swap3A_166 = tpu.vector_load %arg9[%swap3A_163, %swap3A_164, %swap3A_165] {strides = array<i32>} : memref<4x80x128xf32, #tpu.memory_space<vmem>>, vector<1x1x16xf32>,
      %swap3A_167 = vector.shape_cast %swap3A_166 : vector<1x1x16xf32> to vector<16xf32>
      %swap3A_168 = vector.shape_cast %broadcast_in_dim3A_127 : vector<16xf32> to vector<1x1x16xf32>
      tpu.vector_store %arg9[%swap3A_163, %swap3A_164, %swap3A_165], %swap3A_168 {strides = array<i32>} : memref<4x80x128xf32, #tpu.memory_space<vmem>>, vector<1x1x16xf32>,
      %swap3A_169 = arith.constant 0 : i32
      %swap3A_170 = arith.index_cast %swap3A_169 : i32 to index
      %swap3A_171 = arith.index_cast %scan3A_126 : i32 to index
      %swap3A_172 = arith.constant 96 : index
      %swap3A_173 = tpu.vector_load %arg9[%swap3A_170, %swap3A_171, %swap3A_172] {strides = array<i32>} : memref<4x80x128xf32, #tpu.memory_space<vmem>>, vector<1x1x16xf32>,
      %swap3A_174 = vector.shape_cast %swap3A_173 : vector<1x1x16xf32> to vector<16xf32>
      %swap3A_175 = vector.shape_cast %broadcast_in_dim3A_127 : vector<16xf32> to vector<1x1x16xf32>
      tpu.vector_store %arg9[%swap3A_170, %swap3A_171, %swap3A_172], %swap3A_175 {strides = array<i32>} : memref<4x80x128xf32, #tpu.memory_space<vmem>>, vector<1x1x16xf32>,
      %swap3A_176 = arith.constant 0 : i32
      %swap3A_177 = arith.index_cast %swap3A_176 : i32 to index
      %swap3A_178 = arith.index_cast %scan3A_126 : i32 to index
      %swap3A_179 = arith.constant 112 : index
      %swap3A_180 = tpu.vector_load %arg9[%swap3A_177, %swap3A_178, %swap3A_179] {strides = array<i32>} : memref<4x80x128xf32, #tpu.memory_space<vmem>>, vector<1x1x16xf32>,
      %swap3A_181 = vector.shape_cast %swap3A_180 : vector<1x1x16xf32> to vector<16xf32>
      %swap3A_182 = vector.shape_cast %broadcast_in_dim3A_127 : vector<16xf32> to vector<1x1x16xf32>
      tpu.vector_store %arg9[%swap3A_177, %swap3A_178, %swap3A_179], %swap3A_182 {strides = array<i32>} : memref<4x80x128xf32, #tpu.memory_space<vmem>>, vector<1x1x16xf32>,
    }
    %scan3A_7 = arith.constant 80 : i32
    %mul3A_8 = arith.constant 640 : i32
    %mul3A_9 = arith.muli %arg1, %mul3A_8 : i32
    %add3A_10 = arith.constant 0 : i32
    %add3A_11 = arith.addi %mul3A_9, %add3A_10 : i32
    %run_scoped3A = arith.constant 0 : i32
    "tpu.region"() ({
      %run_scoped3A_126 = tpu.sem_alloc : memref<!tpu.dma_semaphore, #tpu.memory_space<semaphore_mem>>
      %dma_start3A_127 = arith.constant 0 : i32
      %dma_start3A_128 = arith.constant 0 : i32
      %dma_start3A_129 = tpu.memref_slice %arg9[%run_scoped3A, %dma_start3A_127, %dma_start3A_128] : memref<4x80x128xf32, #tpu.memory_space<vmem>> -> memref<1x80x128xf32, #tpu.memory_space<vmem>>
      %dma_start3A_130 = tpu.memref_squeeze %dma_start3A_129 : memref<1x80x128xf32, #tpu.memory_space<vmem>> -> memref<80x128xf32, #tpu.memory_space<vmem>>
      %dma_start3A_131 = arith.constant 0 : i32
      %dma_start3A_132 = tpu.memref_slice %arg10[%add3A_11, %dma_start3A_131] : memref<10240x128xf32, #tpu.memory_space<vmem_shared>> -> memref<80x128xf32, #tpu.memory_space<vmem_shared>>
      %dma_start3A_133 = arith.constant 0 : i32
      %dma_start3A_134 = tpu.memref_slice %arg10[%add3A_11, %dma_start3A_133] : memref<10240x128xf32, #tpu.memory_space<vmem_shared>> -> memref<80x128xf32, #tpu.memory_space<vmem_shared>>
      %dma_start3A_135 = arith.constant 0 : i32
      %dma_start3A_136 = arith.constant 0 : i32
      %dma_start3A_137 = tpu.memref_slice %arg9[%run_scoped3A, %dma_start3A_135, %dma_start3A_136] : memref<4x80x128xf32, #tpu.memory_space<vmem>> -> memref<1x80x128xf32, #tpu.memory_space<vmem>>
      %dma_start3A_138 = tpu.memref_squeeze %dma_start3A_137 : memref<1x80x128xf32, #tpu.memory_space<vmem>> -> memref<80x128xf32, #tpu.memory_space<vmem>>
      tpu.enqueue_dma source(%dma_start3A_138 : memref<80x128xf32, #tpu.memory_space<vmem>>) target(%dma_start3A_134 : memref<80x128xf32, #tpu.memory_space<vmem_shared>>) target_semaphore(%run_scoped3A_126 : memref<!tpu.dma_semaphore, #tpu.memory_space<semaphore_mem>>)
      %dma_wait3A_139 = arith.constant 0 : i32
      %dma_wait3A_140 = arith.constant 0 : i32
      %dma_wait3A_141 = tpu.memref_slice %arg9[%run_scoped3A, %dma_wait3A_139, %dma_wait3A_140] : memref<4x80x128xf32, #tpu.memory_space<vmem>> -> memref<1x80x128xf32, #tpu.memory_space<vmem>>
      %dma_wait3A_142 = tpu.memref_squeeze %dma_wait3A_141 : memref<1x80x128xf32, #tpu.memory_space<vmem>> -> memref<80x128xf32, #tpu.memory_space<vmem>>
      %dma_wait3A_143 = arith.constant 0 : i32
      %dma_wait3A_144 = tpu.memref_slice %arg10[%add3A_11, %dma_wait3A_143] : memref<10240x128xf32, #tpu.memory_space<vmem_shared>> -> memref<80x128xf32, #tpu.memory_space<vmem_shared>>
      %dma_wait3A_145 = arith.constant 0 : i32
      %dma_wait3A_146 = tpu.memref_slice %arg10[%add3A_11, %dma_wait3A_145] : memref<10240x128xf32, #tpu.memory_space<vmem_shared>> -> memref<80x128xf32, #tpu.memory_space<vmem_shared>>
      %dma_wait3A_147 = arith.constant 0 : i32
      %dma_wait3A_148 = arith.constant 0 : i32
      %dma_wait3A_149 = tpu.memref_slice %arg9[%run_scoped3A, %dma_wait3A_147, %dma_wait3A_148] : memref<4x80x128xf32, #tpu.memory_space<vmem>> -> memref<1x80x128xf32, #tpu.memory_space<vmem>>
      %dma_wait3A_150 = tpu.memref_squeeze %dma_wait3A_149 : memref<1x80x128xf32, #tpu.memory_space<vmem>> -> memref<80x128xf32, #tpu.memory_space<vmem>>
      tpu.wait_dma2 semaphore(%run_scoped3A_126 : memref<!tpu.dma_semaphore, #tpu.memory_space<semaphore_mem>>) src(%dma_wait3A_150 : memref<80x128xf32, #tpu.memory_space<vmem>>) dst(%dma_wait3A_146 : memref<80x128xf32, #tpu.memory_space<vmem_shared>>)
      tpu.yield
    }) : () -> ()
    %mul3A_12 = arith.constant 640 : i32
    %mul3A_13 = arith.muli %arg1, %mul3A_12 : i32
    %add3A_14 = arith.constant 80 : i32
    %add3A_15 = arith.addi %mul3A_13, %add3A_14 : i32
    %run_scoped3A_16 = arith.constant 0 : i32
    "tpu.region"() ({
      %run_scoped3A_126 = tpu.sem_alloc : memref<!tpu.dma_semaphore, #tpu.memory_space<semaphore_mem>>
      %dma_start3A_127 = arith.constant 0 : i32
      %dma_start3A_128 = arith.constant 0 : i32
      %dma_start3A_129 = tpu.memref_slice %arg9[%run_scoped3A_16, %dma_start3A_127, %dma_start3A_128] : memref<4x80x128xf32, #tpu.memory_space<vmem>> -> memref<1x80x128xf32, #tpu.memory_space<vmem>>
      %dma_start3A_130 = tpu.memref_squeeze %dma_start3A_129 : memref<1x80x128xf32, #tpu.memory_space<vmem>> -> memref<80x128xf32, #tpu.memory_space<vmem>>
      %dma_start3A_131 = arith.constant 0 : i32
      %dma_start3A_132 = tpu.memref_slice %arg10[%add3A_15, %dma_start3A_131] : memref<10240x128xf32, #tpu.memory_space<vmem_shared>> -> memref<80x128xf32, #tpu.memory_space<vmem_shared>>
      %dma_start3A_133 = arith.constant 0 : i32
      %dma_start3A_134 = tpu.memref_slice %arg10[%add3A_15, %dma_start3A_133] : memref<10240x128xf32, #tpu.memory_space<vmem_shared>> -> memref<80x128xf32, #tpu.memory_space<vmem_shared>>
      %dma_start3A_135 = arith.constant 0 : i32
      %dma_start3A_136 = arith.constant 0 : i32
      %dma_start3A_137 = tpu.memref_slice %arg9[%run_scoped3A_16, %dma_start3A_135, %dma_start3A_136] : memref<4x80x128xf32, #tpu.memory_space<vmem>> -> memref<1x80x128xf32, #tpu.memory_space<vmem>>
      %dma_start3A_138 = tpu.memref_squeeze %dma_start3A_137 : memref<1x80x128xf32, #tpu.memory_space<vmem>> -> memref<80x128xf32, #tpu.memory_space<vmem>>
      tpu.enqueue_dma source(%dma_start3A_138 : memref<80x128xf32, #tpu.memory_space<vmem>>) target(%dma_start3A_134 : memref<80x128xf32, #tpu.memory_space<vmem_shared>>) target_semaphore(%run_scoped3A_126 : memref<!tpu.dma_semaphore, #tpu.memory_space<semaphore_mem>>)
      %dma_wait3A_139 = arith.constant 0 : i32
      %dma_wait3A_140 = arith.constant 0 : i32
      %dma_wait3A_141 = tpu.memref_slice %arg9[%run_scoped3A_16, %dma_wait3A_139, %dma_wait3A_140] : memref<4x80x128xf32, #tpu.memory_space<vmem>> -> memref<1x80x128xf32, #tpu.memory_space<vmem>>
      %dma_wait3A_142 = tpu.memref_squeeze %dma_wait3A_141 : memref<1x80x128xf32, #tpu.memory_space<vmem>> -> memref<80x128xf32, #tpu.memory_space<vmem>>
      %dma_wait3A_143 = arith.constant 0 : i32
      %dma_wait3A_144 = tpu.memref_slice %arg10[%add3A_15, %dma_wait3A_143] : memref<10240x128xf32, #tpu.memory_space<vmem_shared>> -> memref<80x128xf32, #tpu.memory_space<vmem_shared>>
      %dma_wait3A_145 = arith.constant 0 : i32
      %dma_wait3A_146 = tpu.memref_slice %arg10[%add3A_15, %dma_wait3A_145] : memref<10240x128xf32, #tpu.memory_space<vmem_shared>> -> memref<80x128xf32, #tpu.memory_space<vmem_shared>>
      %dma_wait3A_147 = arith.constant 0 : i32
      %dma_wait3A_148 = arith.constant 0 : i32
      %dma_wait3A_149 = tpu.memref_slice %arg9[%run_scoped3A_16, %dma_wait3A_147, %dma_wait3A_148] : memref<4x80x128xf32, #tpu.memory_space<vmem>> -> memref<1x80x128xf32, #tpu.memory_space<vmem>>
      %dma_wait3A_150 = tpu.memref_squeeze %dma_wait3A_149 : memref<1x80x128xf32, #tpu.memory_space<vmem>> -> memref<80x128xf32, #tpu.memory_space<vmem>>
      tpu.wait_dma2 semaphore(%run_scoped3A_126 : memref<!tpu.dma_semaphore, #tpu.memory_space<semaphore_mem>>) src(%dma_wait3A_150 : memref<80x128xf32, #tpu.memory_space<vmem>>) dst(%dma_wait3A_146 : memref<80x128xf32, #tpu.memory_space<vmem_shared>>)
      tpu.yield
    }) : () -> ()
    %mul3A_17 = arith.constant 640 : i32
    %mul3A_18 = arith.muli %arg1, %mul3A_17 : i32
    %add3A_19 = arith.constant 160 : i32
    %add3A_20 = arith.addi %mul3A_18, %add3A_19 : i32
    %run_scoped3A_21 = arith.constant 0 : i32
    "tpu.region"() ({
      %run_scoped3A_126 = tpu.sem_alloc : memref<!tpu.dma_semaphore, #tpu.memory_space<semaphore_mem>>
      %dma_start3A_127 = arith.constant 0 : i32
      %dma_start3A_128 = arith.constant 0 : i32
      %dma_start3A_129 = tpu.memref_slice %arg9[%run_scoped3A_21, %dma_start3A_127, %dma_start3A_128] : memref<4x80x128xf32, #tpu.memory_space<vmem>> -> memref<1x80x128xf32, #tpu.memory_space<vmem>>
      %dma_start3A_130 = tpu.memref_squeeze %dma_start3A_129 : memref<1x80x128xf32, #tpu.memory_space<vmem>> -> memref<80x128xf32, #tpu.memory_space<vmem>>
      %dma_start3A_131 = arith.constant 0 : i32
      %dma_start3A_132 = tpu.memref_slice %arg10[%add3A_20, %dma_start3A_131] : memref<10240x128xf32, #tpu.memory_space<vmem_shared>> -> memref<80x128xf32, #tpu.memory_space<vmem_shared>>
      %dma_start3A_133 = arith.constant 0 : i32
      %dma_start3A_134 = tpu.memref_slice %arg10[%add3A_20, %dma_start3A_133] : memref<10240x128xf32, #tpu.memory_space<vmem_shared>> -> memref<80x128xf32, #tpu.memory_space<vmem_shared>>
      %dma_start3A_135 = arith.constant 0 : i32
      %dma_start3A_136 = arith.constant 0 : i32
      %dma_start3A_137 = tpu.memref_slice %arg9[%run_scoped3A_21, %dma_start3A_135, %dma_start3A_136] : memref<4x80x128xf32, #tpu.memory_space<vmem>> -> memref<1x80x128xf32, #tpu.memory_space<vmem>>
      %dma_start3A_138 = tpu.memref_squeeze %dma_start3A_137 : memref<1x80x128xf32, #tpu.memory_space<vmem>> -> memref<80x128xf32, #tpu.memory_space<vmem>>
      tpu.enqueue_dma source(%dma_start3A_138 : memref<80x128xf32, #tpu.memory_space<vmem>>) target(%dma_start3A_134 : memref<80x128xf32, #tpu.memory_space<vmem_shared>>) target_semaphore(%run_scoped3A_126 : memref<!tpu.dma_semaphore, #tpu.memory_space<semaphore_mem>>)
      %dma_wait3A_139 = arith.constant 0 : i32
      %dma_wait3A_140 = arith.constant 0 : i32
      %dma_wait3A_141 = tpu.memref_slice %arg9[%run_scoped3A_21, %dma_wait3A_139, %dma_wait3A_140] : memref<4x80x128xf32, #tpu.memory_space<vmem>> -> memref<1x80x128xf32, #tpu.memory_space<vmem>>
      %dma_wait3A_142 = tpu.memref_squeeze %dma_wait3A_141 : memref<1x80x128xf32, #tpu.memory_space<vmem>> -> memref<80x128xf32, #tpu.memory_space<vmem>>
      %dma_wait3A_143 = arith.constant 0 : i32
      %dma_wait3A_144 = tpu.memref_slice %arg10[%add3A_20, %dma_wait3A_143] : memref<10240x128xf32, #tpu.memory_space<vmem_shared>> -> memref<80x128xf32, #tpu.memory_space<vmem_shared>>
      %dma_wait3A_145 = arith.constant 0 : i32
      %dma_wait3A_146 = tpu.memref_slice %arg10[%add3A_20, %dma_wait3A_145] : memref<10240x128xf32, #tpu.memory_space<vmem_shared>> -> memref<80x128xf32, #tpu.memory_space<vmem_shared>>
      %dma_wait3A_147 = arith.constant 0 : i32
      %dma_wait3A_148 = arith.constant 0 : i32
      %dma_wait3A_149 = tpu.memref_slice %arg9[%run_scoped3A_21, %dma_wait3A_147, %dma_wait3A_148] : memref<4x80x128xf32, #tpu.memory_space<vmem>> -> memref<1x80x128xf32, #tpu.memory_space<vmem>>
      %dma_wait3A_150 = tpu.memref_squeeze %dma_wait3A_149 : memref<1x80x128xf32, #tpu.memory_space<vmem>> -> memref<80x128xf32, #tpu.memory_space<vmem>>
      tpu.wait_dma2 semaphore(%run_scoped3A_126 : memref<!tpu.dma_semaphore, #tpu.memory_space<semaphore_mem>>) src(%dma_wait3A_150 : memref<80x128xf32, #tpu.memory_space<vmem>>) dst(%dma_wait3A_146 : memref<80x128xf32, #tpu.memory_space<vmem_shared>>)
      tpu.yield
    }) : () -> ()
    %mul3A_22 = arith.constant 640 : i32
    %mul3A_23 = arith.muli %arg1, %mul3A_22 : i32
    %add3A_24 = arith.constant 240 : i32
    %add3A_25 = arith.addi %mul3A_23, %add3A_24 : i32
    %run_scoped3A_26 = arith.constant 0 : i32
    "tpu.region"() ({
      %run_scoped3A_126 = tpu.sem_alloc : memref<!tpu.dma_semaphore, #tpu.memory_space<semaphore_mem>>
      %dma_start3A_127 = arith.constant 0 : i32
      %dma_start3A_128 = arith.constant 0 : i32
      %dma_start3A_129 = tpu.memref_slice %arg9[%run_scoped3A_26, %dma_start3A_127, %dma_start3A_128] : memref<4x80x128xf32, #tpu.memory_space<vmem>> -> memref<1x80x128xf32, #tpu.memory_space<vmem>>
      %dma_start3A_130 = tpu.memref_squeeze %dma_start3A_129 : memref<1x80x128xf32, #tpu.memory_space<vmem>> -> memref<80x128xf32, #tpu.memory_space<vmem>>
      %dma_start3A_131 = arith.constant 0 : i32
      %dma_start3A_132 = tpu.memref_slice %arg10[%add3A_25, %dma_start3A_131] : memref<10240x128xf32, #tpu.memory_space<vmem_shared>> -> memref<80x128xf32, #tpu.memory_space<vmem_shared>>
      %dma_start3A_133 = arith.constant 0 : i32
      %dma_start3A_134 = tpu.memref_slice %arg10[%add3A_25, %dma_start3A_133] : memref<10240x128xf32, #tpu.memory_space<vmem_shared>> -> memref<80x128xf32, #tpu.memory_space<vmem_shared>>
      %dma_start3A_135 = arith.constant 0 : i32
      %dma_start3A_136 = arith.constant 0 : i32
      %dma_start3A_137 = tpu.memref_slice %arg9[%run_scoped3A_26, %dma_start3A_135, %dma_start3A_136] : memref<4x80x128xf32, #tpu.memory_space<vmem>> -> memref<1x80x128xf32, #tpu.memory_space<vmem>>
      %dma_start3A_138 = tpu.memref_squeeze %dma_start3A_137 : memref<1x80x128xf32, #tpu.memory_space<vmem>> -> memref<80x128xf32, #tpu.memory_space<vmem>>
      tpu.enqueue_dma source(%dma_start3A_138 : memref<80x128xf32, #tpu.memory_space<vmem>>) target(%dma_start3A_134 : memref<80x128xf32, #tpu.memory_space<vmem_shared>>) target_semaphore(%run_scoped3A_126 : memref<!tpu.dma_semaphore, #tpu.memory_space<semaphore_mem>>)
      %dma_wait3A_139 = arith.constant 0 : i32
      %dma_wait3A_140 = arith.constant 0 : i32
      %dma_wait3A_141 = tpu.memref_slice %arg9[%run_scoped3A_26, %dma_wait3A_139, %dma_wait3A_140] : memref<4x80x128xf32, #tpu.memory_space<vmem>> -> memref<1x80x128xf32, #tpu.memory_space<vmem>>
      %dma_wait3A_142 = tpu.memref_squeeze %dma_wait3A_141 : memref<1x80x128xf32, #tpu.memory_space<vmem>> -> memref<80x128xf32, #tpu.memory_space<vmem>>
      %dma_wait3A_143 = arith.constant 0 : i32
      %dma_wait3A_144 = tpu.memref_slice %arg10[%add3A_25, %dma_wait3A_143] : memref<10240x128xf32, #tpu.memory_space<vmem_shared>> -> memref<80x128xf32, #tpu.memory_space<vmem_shared>>
      %dma_wait3A_145 = arith.constant 0 : i32
      %dma_wait3A_146 = tpu.memref_slice %arg10[%add3A_25, %dma_wait3A_145] : memref<10240x128xf32, #tpu.memory_space<vmem_shared>> -> memref<80x128xf32, #tpu.memory_space<vmem_shared>>
      %dma_wait3A_147 = arith.constant 0 : i32
      %dma_wait3A_148 = arith.constant 0 : i32
      %dma_wait3A_149 = tpu.memref_slice %arg9[%run_scoped3A_26, %dma_wait3A_147, %dma_wait3A_148] : memref<4x80x128xf32, #tpu.memory_space<vmem>> -> memref<1x80x128xf32, #tpu.memory_space<vmem>>
      %dma_wait3A_150 = tpu.memref_squeeze %dma_wait3A_149 : memref<1x80x128xf32, #tpu.memory_space<vmem>> -> memref<80x128xf32, #tpu.memory_space<vmem>>
      tpu.wait_dma2 semaphore(%run_scoped3A_126 : memref<!tpu.dma_semaphore, #tpu.memory_space<semaphore_mem>>) src(%dma_wait3A_150 : memref<80x128xf32, #tpu.memory_space<vmem>>) dst(%dma_wait3A_146 : memref<80x128xf32, #tpu.memory_space<vmem_shared>>)
      tpu.yield
    }) : () -> ()
    %mul3A_27 = arith.constant 640 : i32
    %mul3A_28 = arith.muli %arg1, %mul3A_27 : i32
    %add3A_29 = arith.constant 320 : i32
    %add3A_30 = arith.addi %mul3A_28, %add3A_29 : i32
    %run_scoped3A_31 = arith.constant 0 : i32
    "tpu.region"() ({
      %run_scoped3A_126 = tpu.sem_alloc : memref<!tpu.dma_semaphore, #tpu.memory_space<semaphore_mem>>
      %dma_start3A_127 = arith.constant 0 : i32
      %dma_start3A_128 = arith.constant 0 : i32
      %dma_start3A_129 = tpu.memref_slice %arg9[%run_scoped3A_31, %dma_start3A_127, %dma_start3A_128] : memref<4x80x128xf32, #tpu.memory_space<vmem>> -> memref<1x80x128xf32, #tpu.memory_space<vmem>>
      %dma_start3A_130 = tpu.memref_squeeze %dma_start3A_129 : memref<1x80x128xf32, #tpu.memory_space<vmem>> -> memref<80x128xf32, #tpu.memory_space<vmem>>
      %dma_start3A_131 = arith.constant 0 : i32
      %dma_start3A_132 = tpu.memref_slice %arg10[%add3A_30, %dma_start3A_131] : memref<10240x128xf32, #tpu.memory_space<vmem_shared>> -> memref<80x128xf32, #tpu.memory_space<vmem_shared>>
      %dma_start3A_133 = arith.constant 0 : i32
      %dma_start3A_134 = tpu.memref_slice %arg10[%add3A_30, %dma_start3A_133] : memref<10240x128xf32, #tpu.memory_space<vmem_shared>> -> memref<80x128xf32, #tpu.memory_space<vmem_shared>>
      %dma_start3A_135 = arith.constant 0 : i32
      %dma_start3A_136 = arith.constant 0 : i32
      %dma_start3A_137 = tpu.memref_slice %arg9[%run_scoped3A_31, %dma_start3A_135, %dma_start3A_136] : memref<4x80x128xf32, #tpu.memory_space<vmem>> -> memref<1x80x128xf32, #tpu.memory_space<vmem>>
      %dma_start3A_138 = tpu.memref_squeeze %dma_start3A_137 : memref<1x80x128xf32, #tpu.memory_space<vmem>> -> memref<80x128xf32, #tpu.memory_space<vmem>>
      tpu.enqueue_dma source(%dma_start3A_138 : memref<80x128xf32, #tpu.memory_space<vmem>>) target(%dma_start3A_134 : memref<80x128xf32, #tpu.memory_space<vmem_shared>>) target_semaphore(%run_scoped3A_126 : memref<!tpu.dma_semaphore, #tpu.memory_space<semaphore_mem>>)
      %dma_wait3A_139 = arith.constant 0 : i32
      %dma_wait3A_140 = arith.constant 0 : i32
      %dma_wait3A_141 = tpu.memref_slice %arg9[%run_scoped3A_31, %dma_wait3A_139, %dma_wait3A_140] : memref<4x80x128xf32, #tpu.memory_space<vmem>> -> memref<1x80x128xf32, #tpu.memory_space<vmem>>
      %dma_wait3A_142 = tpu.memref_squeeze %dma_wait3A_141 : memref<1x80x128xf32, #tpu.memory_space<vmem>> -> memref<80x128xf32, #tpu.memory_space<vmem>>
      %dma_wait3A_143 = arith.constant 0 : i32
      %dma_wait3A_144 = tpu.memref_slice %arg10[%add3A_30, %dma_wait3A_143] : memref<10240x128xf32, #tpu.memory_space<vmem_shared>> -> memref<80x128xf32, #tpu.memory_space<vmem_shared>>
      %dma_wait3A_145 = arith.constant 0 : i32
      %dma_wait3A_146 = tpu.memref_slice %arg10[%add3A_30, %dma_wait3A_145] : memref<10240x128xf32, #tpu.memory_space<vmem_shared>> -> memref<80x128xf32, #tpu.memory_space<vmem_shared>>
      %dma_wait3A_147 = arith.constant 0 : i32
      %dma_wait3A_148 = arith.constant 0 : i32
      %dma_wait3A_149 = tpu.memref_slice %arg9[%run_scoped3A_31, %dma_wait3A_147, %dma_wait3A_148] : memref<4x80x128xf32, #tpu.memory_space<vmem>> -> memref<1x80x128xf32, #tpu.memory_space<vmem>>
      %dma_wait3A_150 = tpu.memref_squeeze %dma_wait3A_149 : memref<1x80x128xf32, #tpu.memory_space<vmem>> -> memref<80x128xf32, #tpu.memory_space<vmem>>
      tpu.wait_dma2 semaphore(%run_scoped3A_126 : memref<!tpu.dma_semaphore, #tpu.memory_space<semaphore_mem>>) src(%dma_wait3A_150 : memref<80x128xf32, #tpu.memory_space<vmem>>) dst(%dma_wait3A_146 : memref<80x128xf32, #tpu.memory_space<vmem_shared>>)
      tpu.yield
    }) : () -> ()
    %mul3A_32 = arith.constant 640 : i32
    %mul3A_33 = arith.muli %arg1, %mul3A_32 : i32
    %add3A_34 = arith.constant 400 : i32
    %add3A_35 = arith.addi %mul3A_33, %add3A_34 : i32
    %run_scoped3A_36 = arith.constant 0 : i32
    "tpu.region"() ({
      %run_scoped3A_126 = tpu.sem_alloc : memref<!tpu.dma_semaphore, #tpu.memory_space<semaphore_mem>>
      %dma_start3A_127 = arith.constant 0 : i32
      %dma_start3A_128 = arith.constant 0 : i32
      %dma_start3A_129 = tpu.memref_slice %arg9[%run_scoped3A_36, %dma_start3A_127, %dma_start3A_128] : memref<4x80x128xf32, #tpu.memory_space<vmem>> -> memref<1x80x128xf32, #tpu.memory_space<vmem>>
      %dma_start3A_130 = tpu.memref_squeeze %dma_start3A_129 : memref<1x80x128xf32, #tpu.memory_space<vmem>> -> memref<80x128xf32, #tpu.memory_space<vmem>>
      %dma_start3A_131 = arith.constant 0 : i32
      %dma_start3A_132 = tpu.memref_slice %arg10[%add3A_35, %dma_start3A_131] : memref<10240x128xf32, #tpu.memory_space<vmem_shared>> -> memref<80x128xf32, #tpu.memory_space<vmem_shared>>
      %dma_start3A_133 = arith.constant 0 : i32
      %dma_start3A_134 = tpu.memref_slice %arg10[%add3A_35, %dma_start3A_133] : memref<10240x128xf32, #tpu.memory_space<vmem_shared>> -> memref<80x128xf32, #tpu.memory_space<vmem_shared>>
      %dma_start3A_135 = arith.constant 0 : i32
      %dma_start3A_136 = arith.constant 0 : i32
      %dma_start3A_137 = tpu.memref_slice %arg9[%run_scoped3A_36, %dma_start3A_135, %dma_start3A_136] : memref<4x80x128xf32, #tpu.memory_space<vmem>> -> memref<1x80x128xf32, #tpu.memory_space<vmem>>
      %dma_start3A_138 = tpu.memref_squeeze %dma_start3A_137 : memref<1x80x128xf32, #tpu.memory_space<vmem>> -> memref<80x128xf32, #tpu.memory_space<vmem>>
      tpu.enqueue_dma source(%dma_start3A_138 : memref<80x128xf32, #tpu.memory_space<vmem>>) target(%dma_start3A_134 : memref<80x128xf32, #tpu.memory_space<vmem_shared>>) target_semaphore(%run_scoped3A_126 : memref<!tpu.dma_semaphore, #tpu.memory_space<semaphore_mem>>)
      %dma_wait3A_139 = arith.constant 0 : i32
      %dma_wait3A_140 = arith.constant 0 : i32
      %dma_wait3A_141 = tpu.memref_slice %arg9[%run_scoped3A_36, %dma_wait3A_139, %dma_wait3A_140] : memref<4x80x128xf32, #tpu.memory_space<vmem>> -> memref<1x80x128xf32, #tpu.memory_space<vmem>>
      %dma_wait3A_142 = tpu.memref_squeeze %dma_wait3A_141 : memref<1x80x128xf32, #tpu.memory_space<vmem>> -> memref<80x128xf32, #tpu.memory_space<vmem>>
      %dma_wait3A_143 = arith.constant 0 : i32
      %dma_wait3A_144 = tpu.memref_slice %arg10[%add3A_35, %dma_wait3A_143] : memref<10240x128xf32, #tpu.memory_space<vmem_shared>> -> memref<80x128xf32, #tpu.memory_space<vmem_shared>>
      %dma_wait3A_145 = arith.constant 0 : i32
      %dma_wait3A_146 = tpu.memref_slice %arg10[%add3A_35, %dma_wait3A_145] : memref<10240x128xf32, #tpu.memory_space<vmem_shared>> -> memref<80x128xf32, #tpu.memory_space<vmem_shared>>
      %dma_wait3A_147 = arith.constant 0 : i32
      %dma_wait3A_148 = arith.constant 0 : i32
      %dma_wait3A_149 = tpu.memref_slice %arg9[%run_scoped3A_36, %dma_wait3A_147, %dma_wait3A_148] : memref<4x80x128xf32, #tpu.memory_space<vmem>> -> memref<1x80x128xf32, #tpu.memory_space<vmem>>
      %dma_wait3A_150 = tpu.memref_squeeze %dma_wait3A_149 : memref<1x80x128xf32, #tpu.memory_space<vmem>> -> memref<80x128xf32, #tpu.memory_space<vmem>>
      tpu.wait_dma2 semaphore(%run_scoped3A_126 : memref<!tpu.dma_semaphore, #tpu.memory_space<semaphore_mem>>) src(%dma_wait3A_150 : memref<80x128xf32, #tpu.memory_space<vmem>>) dst(%dma_wait3A_146 : memref<80x128xf32, #tpu.memory_space<vmem_shared>>)
      tpu.yield
    }) : () -> ()
    %mul3A_37 = arith.constant 640 : i32
    %mul3A_38 = arith.muli %arg1, %mul3A_37 : i32
    %add3A_39 = arith.constant 480 : i32
    %add3A_40 = arith.addi %mul3A_38, %add3A_39 : i32
    %run_scoped3A_41 = arith.constant 0 : i32
    "tpu.region"() ({
      %run_scoped3A_126 = tpu.sem_alloc : memref<!tpu.dma_semaphore, #tpu.memory_space<semaphore_mem>>
      %dma_start3A_127 = arith.constant 0 : i32
      %dma_start3A_128 = arith.constant 0 : i32
      %dma_start3A_129 = tpu.memref_slice %arg9[%run_scoped3A_41, %dma_start3A_127, %dma_start3A_128] : memref<4x80x128xf32, #tpu.memory_space<vmem>> -> memref<1x80x128xf32, #tpu.memory_space<vmem>>
      %dma_start3A_130 = tpu.memref_squeeze %dma_start3A_129 : memref<1x80x128xf32, #tpu.memory_space<vmem>> -> memref<80x128xf32, #tpu.memory_space<vmem>>
      %dma_start3A_131 = arith.constant 0 : i32
      %dma_start3A_132 = tpu.memref_slice %arg10[%add3A_40, %dma_start3A_131] : memref<10240x128xf32, #tpu.memory_space<vmem_shared>> -> memref<80x128xf32, #tpu.memory_space<vmem_shared>>
      %dma_start3A_133 = arith.constant 0 : i32
      %dma_start3A_134 = tpu.memref_slice %arg10[%add3A_40, %dma_start3A_133] : memref<10240x128xf32, #tpu.memory_space<vmem_shared>> -> memref<80x128xf32, #tpu.memory_space<vmem_shared>>
      %dma_start3A_135 = arith.constant 0 : i32
      %dma_start3A_136 = arith.constant 0 : i32
      %dma_start3A_137 = tpu.memref_slice %arg9[%run_scoped3A_41, %dma_start3A_135, %dma_start3A_136] : memref<4x80x128xf32, #tpu.memory_space<vmem>> -> memref<1x80x128xf32, #tpu.memory_space<vmem>>
      %dma_start3A_138 = tpu.memref_squeeze %dma_start3A_137 : memref<1x80x128xf32, #tpu.memory_space<vmem>> -> memref<80x128xf32, #tpu.memory_space<vmem>>
      tpu.enqueue_dma source(%dma_start3A_138 : memref<80x128xf32, #tpu.memory_space<vmem>>) target(%dma_start3A_134 : memref<80x128xf32, #tpu.memory_space<vmem_shared>>) target_semaphore(%run_scoped3A_126 : memref<!tpu.dma_semaphore, #tpu.memory_space<semaphore_mem>>)
      %dma_wait3A_139 = arith.constant 0 : i32
      %dma_wait3A_140 = arith.constant 0 : i32
      %dma_wait3A_141 = tpu.memref_slice %arg9[%run_scoped3A_41, %dma_wait3A_139, %dma_wait3A_140] : memref<4x80x128xf32, #tpu.memory_space<vmem>> -> memref<1x80x128xf32, #tpu.memory_space<vmem>>
      %dma_wait3A_142 = tpu.memref_squeeze %dma_wait3A_141 : memref<1x80x128xf32, #tpu.memory_space<vmem>> -> memref<80x128xf32, #tpu.memory_space<vmem>>
      %dma_wait3A_143 = arith.constant 0 : i32
      %dma_wait3A_144 = tpu.memref_slice %arg10[%add3A_40, %dma_wait3A_143] : memref<10240x128xf32, #tpu.memory_space<vmem_shared>> -> memref<80x128xf32, #tpu.memory_space<vmem_shared>>
      %dma_wait3A_145 = arith.constant 0 : i32
      %dma_wait3A_146 = tpu.memref_slice %arg10[%add3A_40, %dma_wait3A_145] : memref<10240x128xf32, #tpu.memory_space<vmem_shared>> -> memref<80x128xf32, #tpu.memory_space<vmem_shared>>
      %dma_wait3A_147 = arith.constant 0 : i32
      %dma_wait3A_148 = arith.constant 0 : i32
      %dma_wait3A_149 = tpu.memref_slice %arg9[%run_scoped3A_41, %dma_wait3A_147, %dma_wait3A_148] : memref<4x80x128xf32, #tpu.memory_space<vmem>> -> memref<1x80x128xf32, #tpu.memory_space<vmem>>
      %dma_wait3A_150 = tpu.memref_squeeze %dma_wait3A_149 : memref<1x80x128xf32, #tpu.memory_space<vmem>> -> memref<80x128xf32, #tpu.memory_space<vmem>>
      tpu.wait_dma2 semaphore(%run_scoped3A_126 : memref<!tpu.dma_semaphore, #tpu.memory_space<semaphore_mem>>) src(%dma_wait3A_150 : memref<80x128xf32, #tpu.memory_space<vmem>>) dst(%dma_wait3A_146 : memref<80x128xf32, #tpu.memory_space<vmem_shared>>)
      tpu.yield
    }) : () -> ()
    %mul3A_42 = arith.constant 640 : i32
    %mul3A_43 = arith.muli %arg1, %mul3A_42 : i32
    %add3A_44 = arith.constant 560 : i32
    %add3A_45 = arith.addi %mul3A_43, %add3A_44 : i32
    %run_scoped3A_46 = arith.constant 0 : i32
    "tpu.region"() ({
      %run_scoped3A_126 = tpu.sem_alloc : memref<!tpu.dma_semaphore, #tpu.memory_space<semaphore_mem>>
      %dma_start3A_127 = arith.constant 0 : i32
      %dma_start3A_128 = arith.constant 0 : i32
      %dma_start3A_129 = tpu.memref_slice %arg9[%run_scoped3A_46, %dma_start3A_127, %dma_start3A_128] : memref<4x80x128xf32, #tpu.memory_space<vmem>> -> memref<1x80x128xf32, #tpu.memory_space<vmem>>
      %dma_start3A_130 = tpu.memref_squeeze %dma_start3A_129 : memref<1x80x128xf32, #tpu.memory_space<vmem>> -> memref<80x128xf32, #tpu.memory_space<vmem>>
      %dma_start3A_131 = arith.constant 0 : i32
      %dma_start3A_132 = tpu.memref_slice %arg10[%add3A_45, %dma_start3A_131] : memref<10240x128xf32, #tpu.memory_space<vmem_shared>> -> memref<80x128xf32, #tpu.memory_space<vmem_shared>>
      %dma_start3A_133 = arith.constant 0 : i32
      %dma_start3A_134 = tpu.memref_slice %arg10[%add3A_45, %dma_start3A_133] : memref<10240x128xf32, #tpu.memory_space<vmem_shared>> -> memref<80x128xf32, #tpu.memory_space<vmem_shared>>
      %dma_start3A_135 = arith.constant 0 : i32
      %dma_start3A_136 = arith.constant 0 : i32
      %dma_start3A_137 = tpu.memref_slice %arg9[%run_scoped3A_46, %dma_start3A_135, %dma_start3A_136] : memref<4x80x128xf32, #tpu.memory_space<vmem>> -> memref<1x80x128xf32, #tpu.memory_space<vmem>>
      %dma_start3A_138 = tpu.memref_squeeze %dma_start3A_137 : memref<1x80x128xf32, #tpu.memory_space<vmem>> -> memref<80x128xf32, #tpu.memory_space<vmem>>
      tpu.enqueue_dma source(%dma_start3A_138 : memref<80x128xf32, #tpu.memory_space<vmem>>) target(%dma_start3A_134 : memref<80x128xf32, #tpu.memory_space<vmem_shared>>) target_semaphore(%run_scoped3A_126 : memref<!tpu.dma_semaphore, #tpu.memory_space<semaphore_mem>>)
      %dma_wait3A_139 = arith.constant 0 : i32
      %dma_wait3A_140 = arith.constant 0 : i32
      %dma_wait3A_141 = tpu.memref_slice %arg9[%run_scoped3A_46, %dma_wait3A_139, %dma_wait3A_140] : memref<4x80x128xf32, #tpu.memory_space<vmem>> -> memref<1x80x128xf32, #tpu.memory_space<vmem>>
      %dma_wait3A_142 = tpu.memref_squeeze %dma_wait3A_141 : memref<1x80x128xf32, #tpu.memory_space<vmem>> -> memref<80x128xf32, #tpu.memory_space<vmem>>
      %dma_wait3A_143 = arith.constant 0 : i32
      %dma_wait3A_144 = tpu.memref_slice %arg10[%add3A_45, %dma_wait3A_143] : memref<10240x128xf32, #tpu.memory_space<vmem_shared>> -> memref<80x128xf32, #tpu.memory_space<vmem_shared>>
      %dma_wait3A_145 = arith.constant 0 : i32
      %dma_wait3A_146 = tpu.memref_slice %arg10[%add3A_45, %dma_wait3A_145] : memref<10240x128xf32, #tpu.memory_space<vmem_shared>> -> memref<80x128xf32, #tpu.memory_space<vmem_shared>>
      %dma_wait3A_147 = arith.constant 0 : i32
      %dma_wait3A_148 = arith.constant 0 : i32
      %dma_wait3A_149 = tpu.memref_slice %arg9[%run_scoped3A_46, %dma_wait3A_147, %dma_wait3A_148] : memref<4x80x128xf32, #tpu.memory_space<vmem>> -> memref<1x80x128xf32, #tpu.memory_space<vmem>>
      %dma_wait3A_150 = tpu.memref_squeeze %dma_wait3A_149 : memref<1x80x128xf32, #tpu.memory_space<vmem>> -> memref<80x128xf32, #tpu.memory_space<vmem>>
      tpu.wait_dma2 semaphore(%run_scoped3A_126 : memref<!tpu.dma_semaphore, #tpu.memory_space<semaphore_mem>>) src(%dma_wait3A_150 : memref<80x128xf32, #tpu.memory_space<vmem>>) dst(%dma_wait3A_146 : memref<80x128xf32, #tpu.memory_space<vmem_shared>>)
      tpu.yield
    }) : () -> ()
    %barrier3A = arith.constant 0 : index
    tpu.barrier barrier_id(%barrier3A)
    "tpu.trace_stop"() : () -> ()
    "tpu.trace_start"() <{level = 10 : i32, message = "edge_loop"}> : () -> ()
    %dma_start3A = arith.constant 0 : i32
    %dma_start3A_47 = tpu.memref_slice %arg6[%dma_start3A] : memref<1200xi32, #tpu.memory_space<vmem>> -> memref<400xi32, #tpu.memory_space<vmem>>
    %dma_start3A_48 = tpu.memref_slice %arg2[%mul3A_2] : memref<320000xi32, #tpu.memory_space<hbm>> -> memref<400xi32, #tpu.memory_space<hbm>>
    %dma_start3A_49 = arith.constant 0 : i32
    %dma_start3A_50 = tpu.memref_slice %arg6[%dma_start3A_49] : memref<1200xi32, #tpu.memory_space<vmem>> -> memref<400xi32, #tpu.memory_space<vmem>>
    %dma_start3A_51 = tpu.memref_slice %arg2[%mul3A_2] : memref<320000xi32, #tpu.memory_space<hbm>> -> memref<400xi32, #tpu.memory_space<hbm>>
    tpu.enqueue_dma source(%dma_start3A_51 : memref<400xi32, #tpu.memory_space<hbm>>) target(%dma_start3A_50 : memref<400xi32, #tpu.memory_space<vmem>>) target_semaphore(%arg11 : memref<!tpu.dma_semaphore, #tpu.memory_space<semaphore_mem>>)
    %dma_start3A_52 = arith.constant 0 : i32
    %dma_start3A_53 = tpu.memref_slice %arg7[%dma_start3A_52] : memref<1200xi32, #tpu.memory_space<vmem>> -> memref<400xi32, #tpu.memory_space<vmem>>
    %dma_start3A_54 = tpu.memref_slice %arg3[%mul3A_2] : memref<320000xi32, #tpu.memory_space<hbm>> -> memref<400xi32, #tpu.memory_space<hbm>>
    %dma_start3A_55 = arith.constant 0 : i32
    %dma_start3A_56 = tpu.memref_slice %arg7[%dma_start3A_55] : memref<1200xi32, #tpu.memory_space<vmem>> -> memref<400xi32, #tpu.memory_space<vmem>>
    %dma_start3A_57 = tpu.memref_slice %arg3[%mul3A_2] : memref<320000xi32, #tpu.memory_space<hbm>> -> memref<400xi32, #tpu.memory_space<hbm>>
    tpu.enqueue_dma source(%dma_start3A_57 : memref<400xi32, #tpu.memory_space<hbm>>) target(%dma_start3A_56 : memref<400xi32, #tpu.memory_space<vmem>>) target_semaphore(%arg11 : memref<!tpu.dma_semaphore, #tpu.memory_space<semaphore_mem>>)
    %add3A_58 = arith.constant 400 : i32
    %add3A_59 = arith.addi %mul3A_2, %add3A_58 : i32
    %dma_start3A_60 = arith.constant 400 : i32
    %dma_start3A_61 = tpu.memref_slice %arg6[%dma_start3A_60] : memref<1200xi32, #tpu.memory_space<vmem>> -> memref<400xi32, #tpu.memory_space<vmem>>
    %dma_start3A_62 = tpu.memref_slice %arg2[%add3A_59] : memref<320000xi32, #tpu.memory_space<hbm>> -> memref<400xi32, #tpu.memory_space<hbm>>
    %dma_start3A_63 = arith.constant 400 : i32
    %dma_start3A_64 = tpu.memref_slice %arg6[%dma_start3A_63] : memref<1200xi32, #tpu.memory_space<vmem>> -> memref<400xi32, #tpu.memory_space<vmem>>
    %dma_start3A_65 = tpu.memref_slice %arg2[%add3A_59] : memref<320000xi32, #tpu.memory_space<hbm>> -> memref<400xi32, #tpu.memory_space<hbm>>
    tpu.enqueue_dma source(%dma_start3A_65 : memref<400xi32, #tpu.memory_space<hbm>>) target(%dma_start3A_64 : memref<400xi32, #tpu.memory_space<vmem>>) target_semaphore(%arg11 : memref<!tpu.dma_semaphore, #tpu.memory_space<semaphore_mem>>)
    %add3A_66 = arith.constant 400 : i32
    %add3A_67 = arith.addi %mul3A_2, %add3A_66 : i32
    %dma_start3A_68 = arith.constant 400 : i32
    %dma_start3A_69 = tpu.memref_slice %arg7[%dma_start3A_68] : memref<1200xi32, #tpu.memory_space<vmem>> -> memref<400xi32, #tpu.memory_space<vmem>>
    %dma_start3A_70 = tpu.memref_slice %arg3[%add3A_67] : memref<320000xi32, #tpu.memory_space<hbm>> -> memref<400xi32, #tpu.memory_space<hbm>>
    %dma_start3A_71 = arith.constant 400 : i32
    %dma_start3A_72 = tpu.memref_slice %arg7[%dma_start3A_71] : memref<1200xi32, #tpu.memory_space<vmem>> -> memref<400xi32, #tpu.memory_space<vmem>>
    %dma_start3A_73 = tpu.memref_slice %arg3[%add3A_67] : memref<320000xi32, #tpu.memory_space<hbm>> -> memref<400xi32, #tpu.memory_space<hbm>>
    tpu.enqueue_dma source(%dma_start3A_73 : memref<400xi32, #tpu.memory_space<hbm>>) target(%dma_start3A_72 : memref<400xi32, #tpu.memory_space<vmem>>) target_semaphore(%arg11 : memref<!tpu.dma_semaphore, #tpu.memory_space<semaphore_mem>>)
    %dma_wait3A = arith.constant 0 : i32
    %dma_wait3A_74 = tpu.memref_slice %arg6[%dma_wait3A] : memref<1200xi32, #tpu.memory_space<vmem>> -> memref<400xi32, #tpu.memory_space<vmem>>
    %dma_wait3A_75 = tpu.memref_slice %arg2[%mul3A_2] : memref<320000xi32, #tpu.memory_space<hbm>> -> memref<400xi32, #tpu.memory_space<hbm>>
    %dma_wait3A_76 = arith.constant 0 : i32
    %dma_wait3A_77 = tpu.memref_slice %arg6[%dma_wait3A_76] : memref<1200xi32, #tpu.memory_space<vmem>> -> memref<400xi32, #tpu.memory_space<vmem>>
    %dma_wait3A_78 = tpu.memref_slice %arg2[%mul3A_2] : memref<320000xi32, #tpu.memory_space<hbm>> -> memref<400xi32, #tpu.memory_space<hbm>>
    tpu.wait_dma2 semaphore(%arg11 : memref<!tpu.dma_semaphore, #tpu.memory_space<semaphore_mem>>) src(%dma_wait3A_78 : memref<400xi32, #tpu.memory_space<hbm>>) dst(%dma_wait3A_77 : memref<400xi32, #tpu.memory_space<vmem>>)
    %dma_wait3A_79 = arith.constant 0 : i32
    %dma_wait3A_80 = tpu.memref_slice %arg7[%dma_wait3A_79] : memref<1200xi32, #tpu.memory_space<vmem>> -> memref<400xi32, #tpu.memory_space<vmem>>
    %dma_wait3A_81 = tpu.memref_slice %arg3[%mul3A_2] : memref<320000xi32, #tpu.memory_space<hbm>> -> memref<400xi32, #tpu.memory_space<hbm>>
    %dma_wait3A_82 = arith.constant 0 : i32
    %dma_wait3A_83 = tpu.memref_slice %arg7[%dma_wait3A_82] : memref<1200xi32, #tpu.memory_space<vmem>> -> memref<400xi32, #tpu.memory_space<vmem>>
    %dma_wait3A_84 = tpu.memref_slice %arg3[%mul3A_2] : memref<320000xi32, #tpu.memory_space<hbm>> -> memref<400xi32, #tpu.memory_space<hbm>>
    tpu.wait_dma2 semaphore(%arg11 : memref<!tpu.dma_semaphore, #tpu.memory_space<semaphore_mem>>) src(%dma_wait3A_84 : memref<400xi32, #tpu.memory_space<hbm>>) dst(%dma_wait3A_83 : memref<400xi32, #tpu.memory_space<vmem>>)
    %dma_start3A_85 = arith.constant 0 : i32
    %dma_start3A_86 = arith.constant 0 : i32
    %dma_start3A_87 = arith.constant 0 : i32
    %dma_start3A_88 = tpu.memref_slice %arg9[%dma_start3A_85, %dma_start3A_86, %dma_start3A_87] : memref<4x80x128xf32, #tpu.memory_space<vmem>> -> memref<1x80x128xf32, #tpu.memory_space<vmem>>
    %dma_start3A_89 = tpu.memref_squeeze %dma_start3A_88 : memref<1x80x128xf32, #tpu.memory_space<vmem>> -> memref<80x128xf32, #tpu.memory_space<vmem>>
    %dma_start3A_90 = arith.constant 0 : i32
    %dma_start3A_91 = tpu.memref_slice %arg7[%dma_start3A_90] : memref<1200xi32, #tpu.memory_space<vmem>> -> memref<80xi32, #tpu.memory_space<vmem>>
    %dma_start3A_92 = arith.constant 0 : i32
    %dma_start3A_93 = arith.constant 0 : i32
    %dma_start3A_94 = tpu.memref_slice %arg4[%dma_start3A_92, %dma_start3A_93] : memref<10000x128xf32, #tpu.memory_space<hbm>> -> memref<10000x128xf32, #tpu.memory_space<hbm>>
    tpu.enqueue_indirect_dma source(%dma_start3A_94 : memref<10000x128xf32, #tpu.memory_space<hbm>>) target(%dma_start3A_89 : memref<80x128xf32, #tpu.memory_space<vmem>>) offsets(%dma_start3A_91 : memref<80xi32, #tpu.memory_space<vmem>>) semaphore(%arg12 : memref<!tpu.dma_semaphore, #tpu.memory_space<semaphore_mem>>)
    %dma_start3A_95 = arith.constant 1 : i32
    %dma_start3A_96 = arith.constant 0 : i32
    %dma_start3A_97 = arith.constant 0 : i32
    %dma_start3A_98 = tpu.memref_slice %arg9[%dma_start3A_95, %dma_start3A_96, %dma_start3A_97] : memref<4x80x128xf32, #tpu.memory_space<vmem>> -> memref<1x80x128xf32, #tpu.memory_space<vmem>>
    %dma_start3A_99 = tpu.memref_squeeze %dma_start3A_98 : memref<1x80x128xf32, #tpu.memory_space<vmem>> -> memref<80x128xf32, #tpu.memory_space<vmem>>
    %dma_start3A_100 = arith.constant 80 : i32
    %dma_start3A_101 = tpu.memref_slice %arg7[%dma_start3A_100] : memref<1200xi32, #tpu.memory_space<vmem>> -> memref<80xi32, #tpu.memory_space<vmem>>
    %dma_start3A_102 = arith.constant 0 : i32
    %dma_start3A_103 = arith.constant 0 : i32
    %dma_start3A_104 = tpu.memref_slice %arg4[%dma_start3A_102, %dma_start3A_103] : memref<10000x128xf32, #tpu.memory_space<hbm>> -> memref<10000x128xf32, #tpu.memory_space<hbm>>
    tpu.enqueue_indirect_dma source(%dma_start3A_104 : memref<10000x128xf32, #tpu.memory_space<hbm>>) target(%dma_start3A_99 : memref<80x128xf32, #tpu.memory_space<vmem>>) offsets(%dma_start3A_101 : memref<80xi32, #tpu.memory_space<vmem>>) semaphore(%arg12 : memref<!tpu.dma_semaphore, #tpu.memory_space<semaphore_mem>>)
    %dma_start3A_105 = arith.constant 2 : i32
    %dma_start3A_106 = arith.constant 0 : i32
    %dma_start3A_107 = arith.constant 0 : i32
    %dma_start3A_108 = tpu.memref_slice %arg9[%dma_start3A_105, %dma_start3A_106, %dma_start3A_107] : memref<4x80x128xf32, #tpu.memory_space<vmem>> -> memref<1x80x128xf32, #tpu.memory_space<vmem>>
    %dma_start3A_109 = tpu.memref_squeeze %dma_start3A_108 : memref<1x80x128xf32, #tpu.memory_space<vmem>> -> memref<80x128xf32, #tpu.memory_space<vmem>>
    %dma_start3A_110 = arith.constant 160 : i32
    %dma_start3A_111 = tpu.memref_slice %arg7[%dma_start3A_110] : memref<1200xi32, #tpu.memory_space<vmem>> -> memref<80xi32, #tpu.memory_space<vmem>>
    %dma_start3A_112 = arith.constant 0 : i32
    %dma_start3A_113 = arith.constant 0 : i32
    %dma_start3A_114 = tpu.memref_slice %arg4[%dma_start3A_112, %dma_start3A_113] : memref<10000x128xf32, #tpu.memory_space<hbm>> -> memref<10000x128xf32, #tpu.memory_space<hbm>>
    tpu.enqueue_indirect_dma source(%dma_start3A_114 : memref<10000x128xf32, #tpu.memory_space<hbm>>) target(%dma_start3A_109 : memref<80x128xf32, #tpu.memory_space<vmem>>) offsets(%dma_start3A_111 : memref<80xi32, #tpu.memory_space<vmem>>) semaphore(%arg12 : memref<!tpu.dma_semaphore, #tpu.memory_space<semaphore_mem>>)
    %scan3A_115 = arith.constant 0 : i32
    %scan3A_116 = arith.constant 0 : i32
    %scan3A_117 = arith.constant 25 : i32
    %scan3A_118 = arith.addi %scan3A_116, %scan3A_117 : i32
    %scan3A_119 = arith.constant 1 : i32
    scf.for %scan3A_126 = %scan3A_116 to %scan3A_118 step %scan3A_119  : i32 {
      %rem3A = arith.constant 3 : i32
      %rem3A_127 = arith.remsi %scan3A_126, %rem3A : i32
      %mul3A_128 = arith.constant 400 : i32
      %mul3A_129 = arith.muli %rem3A_127, %mul3A_128 : i32
      %add3A_130 = arith.constant 1 : i32
      %add3A_131 = arith.addi %scan3A_126, %add3A_130 : i32
      %le3A = arith.constant 24 : i32
      %le3A_132 = arith.cmpi sle, %add3A_131, %le3A : i32
      %convert_element_type3A = arith.extui %le3A_132 : i1 to i32
      %cond3A = arith.constant 0 : i32
      %cond3A_133 = arith.cmpi ne, %convert_element_type3A, %cond3A : i32
      scf.if %cond3A_133 {
        %add3A_470 = arith.constant 1 : i32
        %add3A_471 = arith.addi %scan3A_126, %add3A_470 : i32
        %rem3A_472 = arith.constant 3 : i32
        %rem3A_473 = arith.remsi %add3A_471, %rem3A_472 : i32
        %mul3A_474 = arith.constant 400 : i32
        %mul3A_475 = arith.muli %rem3A_473, %mul3A_474 : i32
        %dma_wait3A_476 = tpu.memref_slice %arg6[%mul3A_475] : memref<1200xi32, #tpu.memory_space<vmem>> -> memref<400xi32, #tpu.memory_space<vmem>>
        %dma_wait3A_477 = tpu.memref_slice %arg2[%mul3A_2] : memref<320000xi32, #tpu.memory_space<hbm>> -> memref<400xi32, #tpu.memory_space<hbm>>
        %dma_wait3A_478 = tpu.memref_slice %arg6[%mul3A_475] : memref<1200xi32, #tpu.memory_space<vmem>> -> memref<400xi32, #tpu.memory_space<vmem>>
        %dma_wait3A_479 = tpu.memref_slice %arg2[%mul3A_2] : memref<320000xi32, #tpu.memory_space<hbm>> -> memref<400xi32, #tpu.memory_space<hbm>>
        tpu.wait_dma2 semaphore(%arg11 : memref<!tpu.dma_semaphore, #tpu.memory_space<semaphore_mem>>) src(%dma_wait3A_479 : memref<400xi32, #tpu.memory_space<hbm>>) dst(%dma_wait3A_478 : memref<400xi32, #tpu.memory_space<vmem>>)
        %dma_wait3A_480 = tpu.memref_slice %arg7[%mul3A_475] : memref<1200xi32, #tpu.memory_space<vmem>> -> memref<400xi32, #tpu.memory_space<vmem>>
        %dma_wait3A_481 = tpu.memref_slice %arg3[%mul3A_2] : memref<320000xi32, #tpu.memory_space<hbm>> -> memref<400xi32, #tpu.memory_space<hbm>>
        %dma_wait3A_482 = tpu.memref_slice %arg7[%mul3A_475] : memref<1200xi32, #tpu.memory_space<vmem>> -> memref<400xi32, #tpu.memory_space<vmem>>
        %dma_wait3A_483 = tpu.memref_slice %arg3[%mul3A_2] : memref<320000xi32, #tpu.memory_space<hbm>> -> memref<400xi32, #tpu.memory_space<hbm>>
        tpu.wait_dma2 semaphore(%arg11 : memref<!tpu.dma_semaphore, #tpu.memory_space<semaphore_mem>>) src(%dma_wait3A_483 : memref<400xi32, #tpu.memory_space<hbm>>) dst(%dma_wait3A_482 : memref<400xi32, #tpu.memory_space<vmem>>)
      } else {
      }
      %add3A_134 = arith.constant 2 : i32
      %add3A_135 = arith.addi %scan3A_126, %add3A_134 : i32
      %le3A_136 = arith.constant 24 : i32
      %le3A_137 = arith.cmpi sle, %add3A_135, %le3A_136 : i32
      %convert_element_type3A_138 = arith.extui %le3A_137 : i1 to i32
      %cond3A_139 = arith.constant 0 : i32
      %cond3A_140 = arith.cmpi ne, %convert_element_type3A_138, %cond3A_139 : i32
      scf.if %cond3A_140 {
        %add3A_470 = arith.constant 2 : i32
        %add3A_471 = arith.addi %scan3A_126, %add3A_470 : i32
        %rem3A_472 = arith.constant 3 : i32
        %rem3A_473 = arith.remsi %add3A_471, %rem3A_472 : i32
        %mul3A_474 = arith.constant 400 : i32
        %mul3A_475 = arith.muli %rem3A_473, %mul3A_474 : i32
        %mul3A_476 = arith.constant 400 : i32
        %mul3A_477 = arith.muli %add3A_471, %mul3A_476 : i32
        %add3A_478 = arith.addi %mul3A_2, %mul3A_477 : i32
        %dma_start3A_479 = tpu.memref_slice %arg6[%mul3A_475] : memref<1200xi32, #tpu.memory_space<vmem>> -> memref<400xi32, #tpu.memory_space<vmem>>
        %dma_start3A_480 = tpu.memref_slice %arg2[%add3A_478] : memref<320000xi32, #tpu.memory_space<hbm>> -> memref<400xi32, #tpu.memory_space<hbm>>
        %dma_start3A_481 = tpu.memref_slice %arg6[%mul3A_475] : memref<1200xi32, #tpu.memory_space<vmem>> -> memref<400xi32, #tpu.memory_space<vmem>>
        %dma_start3A_482 = tpu.memref_slice %arg2[%add3A_478] : memref<320000xi32, #tpu.memory_space<hbm>> -> memref<400xi32, #tpu.memory_space<hbm>>
        tpu.enqueue_dma source(%dma_start3A_482 : memref<400xi32, #tpu.memory_space<hbm>>) target(%dma_start3A_481 : memref<400xi32, #tpu.memory_space<vmem>>) target_semaphore(%arg11 : memref<!tpu.dma_semaphore, #tpu.memory_space<semaphore_mem>>)
        %mul3A_483 = arith.constant 400 : i32
        %mul3A_484 = arith.muli %add3A_471, %mul3A_483 : i32
        %add3A_485 = arith.addi %mul3A_2, %mul3A_484 : i32
        %dma_start3A_486 = tpu.memref_slice %arg7[%mul3A_475] : memref<1200xi32, #tpu.memory_space<vmem>> -> memref<400xi32, #tpu.memory_space<vmem>>
        %dma_start3A_487 = tpu.memref_slice %arg3[%add3A_485] : memref<320000xi32, #tpu.memory_space<hbm>> -> memref<400xi32, #tpu.memory_space<hbm>>
        %dma_start3A_488 = tpu.memref_slice %arg7[%mul3A_475] : memref<1200xi32, #tpu.memory_space<vmem>> -> memref<400xi32, #tpu.memory_space<vmem>>
        %dma_start3A_489 = tpu.memref_slice %arg3[%add3A_485] : memref<320000xi32, #tpu.memory_space<hbm>> -> memref<400xi32, #tpu.memory_space<hbm>>
        tpu.enqueue_dma source(%dma_start3A_489 : memref<400xi32, #tpu.memory_space<hbm>>) target(%dma_start3A_488 : memref<400xi32, #tpu.memory_space<vmem>>) target_semaphore(%arg11 : memref<!tpu.dma_semaphore, #tpu.memory_space<semaphore_mem>>)
      } else {
      }
      %add3A_141 = arith.constant 0 : i32
      %add3A_142 = arith.addi %mul3A_129, %add3A_141 : i32
      %add3A_143 = arith.constant 0 : i32
      %add3A_144 = arith.addi %add3A_142, %add3A_143 : i32
      %get3A = arith.index_cast %add3A_144 : i32 to index
      %get3A_145 = tpu.vector_load %arg6[%get3A] {strides = array<i32>} : memref<1200xi32, #tpu.memory_space<vmem>>, vector<16xi32>,
      %get3A_146 = vector.shape_cast %get3A_145 : vector<16xi32> to vector<16xi32>
      %swap3A = arith.constant 0 : i32
      %swap3A_147 = arith.index_cast %swap3A : i32 to index
      %swap3A_148 = arith.constant 0 : index
      %swap3A_149 = tpu.vector_load %arg8[%swap3A_147, %swap3A_148] {strides = array<i32>} : memref<5x80xi32, #tpu.memory_space<vmem>>, vector<1x16xi32>,
      %swap3A_150 = vector.shape_cast %swap3A_149 : vector<1x16xi32> to vector<16xi32>
      %swap3A_151 = vector.shape_cast %get3A_146 : vector<16xi32> to vector<1x16xi32>
      tpu.vector_store %arg8[%swap3A_147, %swap3A_148], %swap3A_151 {strides = array<i32>} : memref<5x80xi32, #tpu.memory_space<vmem>>, vector<1x16xi32>,
      %add3A_152 = arith.constant 0 : i32
      %add3A_153 = arith.addi %mul3A_129, %add3A_152 : i32
      %add3A_154 = arith.constant 16 : i32
      %add3A_155 = arith.addi %add3A_153, %add3A_154 : i32
      %get3A_156 = arith.index_cast %add3A_155 : i32 to index
      %get3A_157 = tpu.vector_load %arg6[%get3A_156] {strides = array<i32>} : memref<1200xi32, #tpu.memory_space<vmem>>, vector<16xi32>,
      %get3A_158 = vector.shape_cast %get3A_157 : vector<16xi32> to vector<16xi32>
      %swap3A_159 = arith.constant 0 : i32
      %swap3A_160 = arith.index_cast %swap3A_159 : i32 to index
      %swap3A_161 = arith.constant 16 : index
      %swap3A_162 = tpu.vector_load %arg8[%swap3A_160, %swap3A_161] {strides = array<i32>} : memref<5x80xi32, #tpu.memory_space<vmem>>, vector<1x16xi32>,
      %swap3A_163 = vector.shape_cast %swap3A_162 : vector<1x16xi32> to vector<16xi32>
      %swap3A_164 = vector.shape_cast %get3A_158 : vector<16xi32> to vector<1x16xi32>
      tpu.vector_store %arg8[%swap3A_160, %swap3A_161], %swap3A_164 {strides = array<i32>} : memref<5x80xi32, #tpu.memory_space<vmem>>, vector<1x16xi32>,
      %add3A_165 = arith.constant 0 : i32
      %add3A_166 = arith.addi %mul3A_129, %add3A_165 : i32
      %add3A_167 = arith.constant 32 : i32
      %add3A_168 = arith.addi %add3A_166, %add3A_167 : i32
      %get3A_169 = arith.index_cast %add3A_168 : i32 to index
      %get3A_170 = tpu.vector_load %arg6[%get3A_169] {strides = array<i32>} : memref<1200xi32, #tpu.memory_space<vmem>>, vector<16xi32>,
      %get3A_171 = vector.shape_cast %get3A_170 : vector<16xi32> to vector<16xi32>
      %swap3A_172 = arith.constant 0 : i32
      %swap3A_173 = arith.index_cast %swap3A_172 : i32 to index
      %swap3A_174 = arith.constant 32 : index
      %swap3A_175 = tpu.vector_load %arg8[%swap3A_173, %swap3A_174] {strides = array<i32>} : memref<5x80xi32, #tpu.memory_space<vmem>>, vector<1x16xi32>,
      %swap3A_176 = vector.shape_cast %swap3A_175 : vector<1x16xi32> to vector<16xi32>
      %swap3A_177 = vector.shape_cast %get3A_171 : vector<16xi32> to vector<1x16xi32>
      tpu.vector_store %arg8[%swap3A_173, %swap3A_174], %swap3A_177 {strides = array<i32>} : memref<5x80xi32, #tpu.memory_space<vmem>>, vector<1x16xi32>,
      %add3A_178 = arith.constant 0 : i32
      %add3A_179 = arith.addi %mul3A_129, %add3A_178 : i32
      %add3A_180 = arith.constant 48 : i32
      %add3A_181 = arith.addi %add3A_179, %add3A_180 : i32
      %get3A_182 = arith.index_cast %add3A_181 : i32 to index
      %get3A_183 = tpu.vector_load %arg6[%get3A_182] {strides = array<i32>} : memref<1200xi32, #tpu.memory_space<vmem>>, vector<16xi32>,
      %get3A_184 = vector.shape_cast %get3A_183 : vector<16xi32> to vector<16xi32>
      %swap3A_185 = arith.constant 0 : i32
      %swap3A_186 = arith.index_cast %swap3A_185 : i32 to index
      %swap3A_187 = arith.constant 48 : index
      %swap3A_188 = tpu.vector_load %arg8[%swap3A_186, %swap3A_187] {strides = array<i32>} : memref<5x80xi32, #tpu.memory_space<vmem>>, vector<1x16xi32>,
      %swap3A_189 = vector.shape_cast %swap3A_188 : vector<1x16xi32> to vector<16xi32>
      %swap3A_190 = vector.shape_cast %get3A_184 : vector<16xi32> to vector<1x16xi32>
      tpu.vector_store %arg8[%swap3A_186, %swap3A_187], %swap3A_190 {strides = array<i32>} : memref<5x80xi32, #tpu.memory_space<vmem>>, vector<1x16xi32>,
      %add3A_191 = arith.constant 0 : i32
      %add3A_192 = arith.addi %mul3A_129, %add3A_191 : i32
      %add3A_193 = arith.constant 64 : i32
      %add3A_194 = arith.addi %add3A_192, %add3A_193 : i32
      %get3A_195 = arith.index_cast %add3A_194 : i32 to index
      %get3A_196 = tpu.vector_load %arg6[%get3A_195] {strides = array<i32>} : memref<1200xi32, #tpu.memory_space<vmem>>, vector<16xi32>,
      %get3A_197 = vector.shape_cast %get3A_196 : vector<16xi32> to vector<16xi32>
      %swap3A_198 = arith.constant 0 : i32
      %swap3A_199 = arith.index_cast %swap3A_198 : i32 to index
      %swap3A_200 = arith.constant 64 : index
      %swap3A_201 = tpu.vector_load %arg8[%swap3A_199, %swap3A_200] {strides = array<i32>} : memref<5x80xi32, #tpu.memory_space<vmem>>, vector<1x16xi32>,
      %swap3A_202 = vector.shape_cast %swap3A_201 : vector<1x16xi32> to vector<16xi32>
      %swap3A_203 = vector.shape_cast %get3A_197 : vector<16xi32> to vector<1x16xi32>
      tpu.vector_store %arg8[%swap3A_199, %swap3A_200], %swap3A_203 {strides = array<i32>} : memref<5x80xi32, #tpu.memory_space<vmem>>, vector<1x16xi32>,
      %add3A_204 = arith.constant 80 : i32
      %add3A_205 = arith.addi %mul3A_129, %add3A_204 : i32
      %add3A_206 = arith.constant 0 : i32
      %add3A_207 = arith.addi %add3A_205, %add3A_206 : i32
      %get3A_208 = arith.index_cast %add3A_207 : i32 to index
      %get3A_209 = tpu.vector_load %arg6[%get3A_208] {strides = array<i32>} : memref<1200xi32, #tpu.memory_space<vmem>>, vector<16xi32>,
      %get3A_210 = vector.shape_cast %get3A_209 : vector<16xi32> to vector<16xi32>
      %swap3A_211 = arith.constant 1 : i32
      %swap3A_212 = arith.index_cast %swap3A_211 : i32 to index
      %swap3A_213 = arith.constant 0 : index
      %swap3A_214 = tpu.vector_load %arg8[%swap3A_212, %swap3A_213] {strides = array<i32>} : memref<5x80xi32, #tpu.memory_space<vmem>>, vector<1x16xi32>,
      %swap3A_215 = vector.shape_cast %swap3A_214 : vector<1x16xi32> to vector<16xi32>
      %swap3A_216 = vector.shape_cast %get3A_210 : vector<16xi32> to vector<1x16xi32>
      tpu.vector_store %arg8[%swap3A_212, %swap3A_213], %swap3A_216 {strides = array<i32>} : memref<5x80xi32, #tpu.memory_space<vmem>>, vector<1x16xi32>,
      %add3A_217 = arith.constant 80 : i32
      %add3A_218 = arith.addi %mul3A_129, %add3A_217 : i32
      %add3A_219 = arith.constant 16 : i32
      %add3A_220 = arith.addi %add3A_218, %add3A_219 : i32
      %get3A_221 = arith.index_cast %add3A_220 : i32 to index
      %get3A_222 = tpu.vector_load %arg6[%get3A_221] {strides = array<i32>} : memref<1200xi32, #tpu.memory_space<vmem>>, vector<16xi32>,
      %get3A_223 = vector.shape_cast %get3A_222 : vector<16xi32> to vector<16xi32>
      %swap3A_224 = arith.constant 1 : i32
      %swap3A_225 = arith.index_cast %swap3A_224 : i32 to index
      %swap3A_226 = arith.constant 16 : index
      %swap3A_227 = tpu.vector_load %arg8[%swap3A_225, %swap3A_226] {strides = array<i32>} : memref<5x80xi32, #tpu.memory_space<vmem>>, vector<1x16xi32>,
      %swap3A_228 = vector.shape_cast %swap3A_227 : vector<1x16xi32> to vector<16xi32>
      %swap3A_229 = vector.shape_cast %get3A_223 : vector<16xi32> to vector<1x16xi32>
      tpu.vector_store %arg8[%swap3A_225, %swap3A_226], %swap3A_229 {strides = array<i32>} : memref<5x80xi32, #tpu.memory_space<vmem>>, vector<1x16xi32>,
      %add3A_230 = arith.constant 80 : i32
      %add3A_231 = arith.addi %mul3A_129, %add3A_230 : i32
      %add3A_232 = arith.constant 32 : i32
      %add3A_233 = arith.addi %add3A_231, %add3A_232 : i32
      %get3A_234 = arith.index_cast %add3A_233 : i32 to index
      %get3A_235 = tpu.vector_load %arg6[%get3A_234] {strides = array<i32>} : memref<1200xi32, #tpu.memory_space<vmem>>, vector<16xi32>,
      %get3A_236 = vector.shape_cast %get3A_235 : vector<16xi32> to vector<16xi32>
      %swap3A_237 = arith.constant 1 : i32
      %swap3A_238 = arith.index_cast %swap3A_237 : i32 to index
      %swap3A_239 = arith.constant 32 : index
      %swap3A_240 = tpu.vector_load %arg8[%swap3A_238, %swap3A_239] {strides = array<i32>} : memref<5x80xi32, #tpu.memory_space<vmem>>, vector<1x16xi32>,
      %swap3A_241 = vector.shape_cast %swap3A_240 : vector<1x16xi32> to vector<16xi32>
      %swap3A_242 = vector.shape_cast %get3A_236 : vector<16xi32> to vector<1x16xi32>
      tpu.vector_store %arg8[%swap3A_238, %swap3A_239], %swap3A_242 {strides = array<i32>} : memref<5x80xi32, #tpu.memory_space<vmem>>, vector<1x16xi32>,
      %add3A_243 = arith.constant 80 : i32
      %add3A_244 = arith.addi %mul3A_129, %add3A_243 : i32
      %add3A_245 = arith.constant 48 : i32
      %add3A_246 = arith.addi %add3A_244, %add3A_245 : i32
      %get3A_247 = arith.index_cast %add3A_246 : i32 to index
      %get3A_248 = tpu.vector_load %arg6[%get3A_247] {strides = array<i32>} : memref<1200xi32, #tpu.memory_space<vmem>>, vector<16xi32>,
      %get3A_249 = vector.shape_cast %get3A_248 : vector<16xi32> to vector<16xi32>
      %swap3A_250 = arith.constant 1 : i32
      %swap3A_251 = arith.index_cast %swap3A_250 : i32 to index
      %swap3A_252 = arith.constant 48 : index
      %swap3A_253 = tpu.vector_load %arg8[%swap3A_251, %swap3A_252] {strides = array<i32>} : memref<5x80xi32, #tpu.memory_space<vmem>>, vector<1x16xi32>,
      %swap3A_254 = vector.shape_cast %swap3A_253 : vector<1x16xi32> to vector<16xi32>
      %swap3A_255 = vector.shape_cast %get3A_249 : vector<16xi32> to vector<1x16xi32>
      tpu.vector_store %arg8[%swap3A_251, %swap3A_252], %swap3A_255 {strides = array<i32>} : memref<5x80xi32, #tpu.memory_space<vmem>>, vector<1x16xi32>,
      %add3A_256 = arith.constant 80 : i32
      %add3A_257 = arith.addi %mul3A_129, %add3A_256 : i32
      %add3A_258 = arith.constant 64 : i32
      %add3A_259 = arith.addi %add3A_257, %add3A_258 : i32
      %get3A_260 = arith.index_cast %add3A_259 : i32 to index
      %get3A_261 = tpu.vector_load %arg6[%get3A_260] {strides = array<i32>} : memref<1200xi32, #tpu.memory_space<vmem>>, vector<16xi32>,
      %get3A_262 = vector.shape_cast %get3A_261 : vector<16xi32> to vector<16xi32>
      %swap3A_263 = arith.constant 1 : i32
      %swap3A_264 = arith.index_cast %swap3A_263 : i32 to index
      %swap3A_265 = arith.constant 64 : index
      %swap3A_266 = tpu.vector_load %arg8[%swap3A_264, %swap3A_265] {strides = array<i32>} : memref<5x80xi32, #tpu.memory_space<vmem>>, vector<1x16xi32>,
      %swap3A_267 = vector.shape_cast %swap3A_266 : vector<1x16xi32> to vector<16xi32>
      %swap3A_268 = vector.shape_cast %get3A_262 : vector<16xi32> to vector<1x16xi32>
      tpu.vector_store %arg8[%swap3A_264, %swap3A_265], %swap3A_268 {strides = array<i32>} : memref<5x80xi32, #tpu.memory_space<vmem>>, vector<1x16xi32>,
      %add3A_269 = arith.constant 160 : i32
      %add3A_270 = arith.addi %mul3A_129, %add3A_269 : i32
      %add3A_271 = arith.constant 0 : i32
      %add3A_272 = arith.addi %add3A_270, %add3A_271 : i32
      %get3A_273 = arith.index_cast %add3A_272 : i32 to index
      %get3A_274 = tpu.vector_load %arg6[%get3A_273] {strides = array<i32>} : memref<1200xi32, #tpu.memory_space<vmem>>, vector<16xi32>,
      %get3A_275 = vector.shape_cast %get3A_274 : vector<16xi32> to vector<16xi32>
      %swap3A_276 = arith.constant 2 : i32
      %swap3A_277 = arith.index_cast %swap3A_276 : i32 to index
      %swap3A_278 = arith.constant 0 : index
      %swap3A_279 = tpu.vector_load %arg8[%swap3A_277, %swap3A_278] {strides = array<i32>} : memref<5x80xi32, #tpu.memory_space<vmem>>, vector<1x16xi32>,
      %swap3A_280 = vector.shape_cast %swap3A_279 : vector<1x16xi32> to vector<16xi32>
      %swap3A_281 = vector.shape_cast %get3A_275 : vector<16xi32> to vector<1x16xi32>
      tpu.vector_store %arg8[%swap3A_277, %swap3A_278], %swap3A_281 {strides = array<i32>} : memref<5x80xi32, #tpu.memory_space<vmem>>, vector<1x16xi32>,
      %add3A_282 = arith.constant 160 : i32
      %add3A_283 = arith.addi %mul3A_129, %add3A_282 : i32
      %add3A_284 = arith.constant 16 : i32
      %add3A_285 = arith.addi %add3A_283, %add3A_284 : i32
      %get3A_286 = arith.index_cast %add3A_285 : i32 to index
      %get3A_287 = tpu.vector_load %arg6[%get3A_286] {strides = array<i32>} : memref<1200xi32, #tpu.memory_space<vmem>>, vector<16xi32>,
      %get3A_288 = vector.shape_cast %get3A_287 : vector<16xi32> to vector<16xi32>
      %swap3A_289 = arith.constant 2 : i32
      %swap3A_290 = arith.index_cast %swap3A_289 : i32 to index
      %swap3A_291 = arith.constant 16 : index
      %swap3A_292 = tpu.vector_load %arg8[%swap3A_290, %swap3A_291] {strides = array<i32>} : memref<5x80xi32, #tpu.memory_space<vmem>>, vector<1x16xi32>,
      %swap3A_293 = vector.shape_cast %swap3A_292 : vector<1x16xi32> to vector<16xi32>
      %swap3A_294 = vector.shape_cast %get3A_288 : vector<16xi32> to vector<1x16xi32>
      tpu.vector_store %arg8[%swap3A_290, %swap3A_291], %swap3A_294 {strides = array<i32>} : memref<5x80xi32, #tpu.memory_space<vmem>>, vector<1x16xi32>,
      %add3A_295 = arith.constant 160 : i32
      %add3A_296 = arith.addi %mul3A_129, %add3A_295 : i32
      %add3A_297 = arith.constant 32 : i32
      %add3A_298 = arith.addi %add3A_296, %add3A_297 : i32
      %get3A_299 = arith.index_cast %add3A_298 : i32 to index
      %get3A_300 = tpu.vector_load %arg6[%get3A_299] {strides = array<i32>} : memref<1200xi32, #tpu.memory_space<vmem>>, vector<16xi32>,
      %get3A_301 = vector.shape_cast %get3A_300 : vector<16xi32> to vector<16xi32>
      %swap3A_302 = arith.constant 2 : i32
      %swap3A_303 = arith.index_cast %swap3A_302 : i32 to index
      %swap3A_304 = arith.constant 32 : index
      %swap3A_305 = tpu.vector_load %arg8[%swap3A_303, %swap3A_304] {strides = array<i32>} : memref<5x80xi32, #tpu.memory_space<vmem>>, vector<1x16xi32>,
      %swap3A_306 = vector.shape_cast %swap3A_305 : vector<1x16xi32> to vector<16xi32>
      %swap3A_307 = vector.shape_cast %get3A_301 : vector<16xi32> to vector<1x16xi32>
      tpu.vector_store %arg8[%swap3A_303, %swap3A_304], %swap3A_307 {strides = array<i32>} : memref<5x80xi32, #tpu.memory_space<vmem>>, vector<1x16xi32>,
      %add3A_308 = arith.constant 160 : i32
      %add3A_309 = arith.addi %mul3A_129, %add3A_308 : i32
      %add3A_310 = arith.constant 48 : i32
      %add3A_311 = arith.addi %add3A_309, %add3A_310 : i32
      %get3A_312 = arith.index_cast %add3A_311 : i32 to index
      %get3A_313 = tpu.vector_load %arg6[%get3A_312] {strides = array<i32>} : memref<1200xi32, #tpu.memory_space<vmem>>, vector<16xi32>,
      %get3A_314 = vector.shape_cast %get3A_313 : vector<16xi32> to vector<16xi32>
      %swap3A_315 = arith.constant 2 : i32
      %swap3A_316 = arith.index_cast %swap3A_315 : i32 to index
      %swap3A_317 = arith.constant 48 : index
      %swap3A_318 = tpu.vector_load %arg8[%swap3A_316, %swap3A_317] {strides = array<i32>} : memref<5x80xi32, #tpu.memory_space<vmem>>, vector<1x16xi32>,
      %swap3A_319 = vector.shape_cast %swap3A_318 : vector<1x16xi32> to vector<16xi32>
      %swap3A_320 = vector.shape_cast %get3A_314 : vector<16xi32> to vector<1x16xi32>
      tpu.vector_store %arg8[%swap3A_316, %swap3A_317], %swap3A_320 {strides = array<i32>} : memref<5x80xi32, #tpu.memory_space<vmem>>, vector<1x16xi32>,
      %add3A_321 = arith.constant 160 : i32
      %add3A_322 = arith.addi %mul3A_129, %add3A_321 : i32
      %add3A_323 = arith.constant 64 : i32
      %add3A_324 = arith.addi %add3A_322, %add3A_323 : i32
      %get3A_325 = arith.index_cast %add3A_324 : i32 to index
      %get3A_326 = tpu.vector_load %arg6[%get3A_325] {strides = array<i32>} : memref<1200xi32, #tpu.memory_space<vmem>>, vector<16xi32>,
      %get3A_327 = vector.shape_cast %get3A_326 : vector<16xi32> to vector<16xi32>
      %swap3A_328 = arith.constant 2 : i32
      %swap3A_329 = arith.index_cast %swap3A_328 : i32 to index
      %swap3A_330 = arith.constant 64 : index
      %swap3A_331 = tpu.vector_load %arg8[%swap3A_329, %swap3A_330] {strides = array<i32>} : memref<5x80xi32, #tpu.memory_space<vmem>>, vector<1x16xi32>,
      %swap3A_332 = vector.shape_cast %swap3A_331 : vector<1x16xi32> to vector<16xi32>
      %swap3A_333 = vector.shape_cast %get3A_327 : vector<16xi32> to vector<1x16xi32>
      tpu.vector_store %arg8[%swap3A_329, %swap3A_330], %swap3A_333 {strides = array<i32>} : memref<5x80xi32, #tpu.memory_space<vmem>>, vector<1x16xi32>,
      %add3A_334 = arith.constant 240 : i32
      %add3A_335 = arith.addi %mul3A_129, %add3A_334 : i32
      %add3A_336 = arith.constant 0 : i32
      %add3A_337 = arith.addi %add3A_335, %add3A_336 : i32
      %get3A_338 = arith.index_cast %add3A_337 : i32 to index
      %get3A_339 = tpu.vector_load %arg6[%get3A_338] {strides = array<i32>} : memref<1200xi32, #tpu.memory_space<vmem>>, vector<16xi32>,
      %get3A_340 = vector.shape_cast %get3A_339 : vector<16xi32> to vector<16xi32>
      %swap3A_341 = arith.constant 3 : i32
      %swap3A_342 = arith.index_cast %swap3A_341 : i32 to index
      %swap3A_343 = arith.constant 0 : index
      %swap3A_344 = tpu.vector_load %arg8[%swap3A_342, %swap3A_343] {strides = array<i32>} : memref<5x80xi32, #tpu.memory_space<vmem>>, vector<1x16xi32>,
      %swap3A_345 = vector.shape_cast %swap3A_344 : vector<1x16xi32> to vector<16xi32>
      %swap3A_346 = vector.shape_cast %get3A_340 : vector<16xi32> to vector<1x16xi32>
      tpu.vector_store %arg8[%swap3A_342, %swap3A_343], %swap3A_346 {strides = array<i32>} : memref<5x80xi32, #tpu.memory_space<vmem>>, vector<1x16xi32>,
      %add3A_347 = arith.constant 240 : i32
      %add3A_348 = arith.addi %mul3A_129, %add3A_347 : i32
      %add3A_349 = arith.constant 16 : i32
      %add3A_350 = arith.addi %add3A_348, %add3A_349 : i32
      %get3A_351 = arith.index_cast %add3A_350 : i32 to index
      %get3A_352 = tpu.vector_load %arg6[%get3A_351] {strides = array<i32>} : memref<1200xi32, #tpu.memory_space<vmem>>, vector<16xi32>,
      %get3A_353 = vector.shape_cast %get3A_352 : vector<16xi32> to vector<16xi32>
      %swap3A_354 = arith.constant 3 : i32
      %swap3A_355 = arith.index_cast %swap3A_354 : i32 to index
      %swap3A_356 = arith.constant 16 : index
      %swap3A_357 = tpu.vector_load %arg8[%swap3A_355, %swap3A_356] {strides = array<i32>} : memref<5x80xi32, #tpu.memory_space<vmem>>, vector<1x16xi32>,
      %swap3A_358 = vector.shape_cast %swap3A_357 : vector<1x16xi32> to vector<16xi32>
      %swap3A_359 = vector.shape_cast %get3A_353 : vector<16xi32> to vector<1x16xi32>
      tpu.vector_store %arg8[%swap3A_355, %swap3A_356], %swap3A_359 {strides = array<i32>} : memref<5x80xi32, #tpu.memory_space<vmem>>, vector<1x16xi32>,
      %add3A_360 = arith.constant 240 : i32
      %add3A_361 = arith.addi %mul3A_129, %add3A_360 : i32
      %add3A_362 = arith.constant 32 : i32
      %add3A_363 = arith.addi %add3A_361, %add3A_362 : i32
      %get3A_364 = arith.index_cast %add3A_363 : i32 to index
      %get3A_365 = tpu.vector_load %arg6[%get3A_364] {strides = array<i32>} : memref<1200xi32, #tpu.memory_space<vmem>>, vector<16xi32>,
      %get3A_366 = vector.shape_cast %get3A_365 : vector<16xi32> to vector<16xi32>
      %swap3A_367 = arith.constant 3 : i32
      %swap3A_368 = arith.index_cast %swap3A_367 : i32 to index
      %swap3A_369 = arith.constant 32 : index
      %swap3A_370 = tpu.vector_load %arg8[%swap3A_368, %swap3A_369] {strides = array<i32>} : memref<5x80xi32, #tpu.memory_space<vmem>>, vector<1x16xi32>,
      %swap3A_371 = vector.shape_cast %swap3A_370 : vector<1x16xi32> to vector<16xi32>
      %swap3A_372 = vector.shape_cast %get3A_366 : vector<16xi32> to vector<1x16xi32>
      tpu.vector_store %arg8[%swap3A_368, %swap3A_369], %swap3A_372 {strides = array<i32>} : memref<5x80xi32, #tpu.memory_space<vmem>>, vector<1x16xi32>,
      %add3A_373 = arith.constant 240 : i32
      %add3A_374 = arith.addi %mul3A_129, %add3A_373 : i32
      %add3A_375 = arith.constant 48 : i32
      %add3A_376 = arith.addi %add3A_374, %add3A_375 : i32
      %get3A_377 = arith.index_cast %add3A_376 : i32 to index
      %get3A_378 = tpu.vector_load %arg6[%get3A_377] {strides = array<i32>} : memref<1200xi32, #tpu.memory_space<vmem>>, vector<16xi32>,
      %get3A_379 = vector.shape_cast %get3A_378 : vector<16xi32> to vector<16xi32>
      %swap3A_380 = arith.constant 3 : i32
      %swap3A_381 = arith.index_cast %swap3A_380 : i32 to index
      %swap3A_382 = arith.constant 48 : index
      %swap3A_383 = tpu.vector_load %arg8[%swap3A_381, %swap3A_382] {strides = array<i32>} : memref<5x80xi32, #tpu.memory_space<vmem>>, vector<1x16xi32>,
      %swap3A_384 = vector.shape_cast %swap3A_383 : vector<1x16xi32> to vector<16xi32>
      %swap3A_385 = vector.shape_cast %get3A_379 : vector<16xi32> to vector<1x16xi32>
      tpu.vector_store %arg8[%swap3A_381, %swap3A_382], %swap3A_385 {strides = array<i32>} : memref<5x80xi32, #tpu.memory_space<vmem>>, vector<1x16xi32>,
      %add3A_386 = arith.constant 240 : i32
      %add3A_387 = arith.addi %mul3A_129, %add3A_386 : i32
      %add3A_388 = arith.constant 64 : i32
      %add3A_389 = arith.addi %add3A_387, %add3A_388 : i32
      %get3A_390 = arith.index_cast %add3A_389 : i32 to index
      %get3A_391 = tpu.vector_load %arg6[%get3A_390] {strides = array<i32>} : memref<1200xi32, #tpu.memory_space<vmem>>, vector<16xi32>,
      %get3A_392 = vector.shape_cast %get3A_391 : vector<16xi32> to vector<16xi32>
      %swap3A_393 = arith.constant 3 : i32
      %swap3A_394 = arith.index_cast %swap3A_393 : i32 to index
      %swap3A_395 = arith.constant 64 : index
      %swap3A_396 = tpu.vector_load %arg8[%swap3A_394, %swap3A_395] {strides = array<i32>} : memref<5x80xi32, #tpu.memory_space<vmem>>, vector<1x16xi32>,
      %swap3A_397 = vector.shape_cast %swap3A_396 : vector<1x16xi32> to vector<16xi32>
      %swap3A_398 = vector.shape_cast %get3A_392 : vector<16xi32> to vector<1x16xi32>
      tpu.vector_store %arg8[%swap3A_394, %swap3A_395], %swap3A_398 {strides = array<i32>} : memref<5x80xi32, #tpu.memory_space<vmem>>, vector<1x16xi32>,
      %add3A_399 = arith.constant 320 : i32
      %add3A_400 = arith.addi %mul3A_129, %add3A_399 : i32
      %add3A_401 = arith.constant 0 : i32
      %add3A_402 = arith.addi %add3A_400, %add3A_401 : i32
      %get3A_403 = arith.index_cast %add3A_402 : i32 to index
      %get3A_404 = tpu.vector_load %arg6[%get3A_403] {strides = array<i32>} : memref<1200xi32, #tpu.memory_space<vmem>>, vector<16xi32>,
      %get3A_405 = vector.shape_cast %get3A_404 : vector<16xi32> to vector<16xi32>
      %swap3A_406 = arith.constant 4 : i32
      %swap3A_407 = arith.index_cast %swap3A_406 : i32 to index
      %swap3A_408 = arith.constant 0 : index
      %swap3A_409 = tpu.vector_load %arg8[%swap3A_407, %swap3A_408] {strides = array<i32>} : memref<5x80xi32, #tpu.memory_space<vmem>>, vector<1x16xi32>,
      %swap3A_410 = vector.shape_cast %swap3A_409 : vector<1x16xi32> to vector<16xi32>
      %swap3A_411 = vector.shape_cast %get3A_405 : vector<16xi32> to vector<1x16xi32>
      tpu.vector_store %arg8[%swap3A_407, %swap3A_408], %swap3A_411 {strides = array<i32>} : memref<5x80xi32, #tpu.memory_space<vmem>>, vector<1x16xi32>,
      %add3A_412 = arith.constant 320 : i32
      %add3A_413 = arith.addi %mul3A_129, %add3A_412 : i32
      %add3A_414 = arith.constant 16 : i32
      %add3A_415 = arith.addi %add3A_413, %add3A_414 : i32
      %get3A_416 = arith.index_cast %add3A_415 : i32 to index
      %get3A_417 = tpu.vector_load %arg6[%get3A_416] {strides = array<i32>} : memref<1200xi32, #tpu.memory_space<vmem>>, vector<16xi32>,
      %get3A_418 = vector.shape_cast %get3A_417 : vector<16xi32> to vector<16xi32>
      %swap3A_419 = arith.constant 4 : i32
      %swap3A_420 = arith.index_cast %swap3A_419 : i32 to index
      %swap3A_421 = arith.constant 16 : index
      %swap3A_422 = tpu.vector_load %arg8[%swap3A_420, %swap3A_421] {strides = array<i32>} : memref<5x80xi32, #tpu.memory_space<vmem>>, vector<1x16xi32>,
      %swap3A_423 = vector.shape_cast %swap3A_422 : vector<1x16xi32> to vector<16xi32>
      %swap3A_424 = vector.shape_cast %get3A_418 : vector<16xi32> to vector<1x16xi32>
      tpu.vector_store %arg8[%swap3A_420, %swap3A_421], %swap3A_424 {strides = array<i32>} : memref<5x80xi32, #tpu.memory_space<vmem>>, vector<1x16xi32>,
      %add3A_425 = arith.constant 320 : i32
      %add3A_426 = arith.addi %mul3A_129, %add3A_425 : i32
      %add3A_427 = arith.constant 32 : i32
      %add3A_428 = arith.addi %add3A_426, %add3A_427 : i32
      %get3A_429 = arith.index_cast %add3A_428 : i32 to index
      %get3A_430 = tpu.vector_load %arg6[%get3A_429] {strides = array<i32>} : memref<1200xi32, #tpu.memory_space<vmem>>, vector<16xi32>,
      %get3A_431 = vector.shape_cast %get3A_430 : vector<16xi32> to vector<16xi32>
      %swap3A_432 = arith.constant 4 : i32
      %swap3A_433 = arith.index_cast %swap3A_432 : i32 to index
      %swap3A_434 = arith.constant 32 : index
      %swap3A_435 = tpu.vector_load %arg8[%swap3A_433, %swap3A_434] {strides = array<i32>} : memref<5x80xi32, #tpu.memory_space<vmem>>, vector<1x16xi32>,
      %swap3A_436 = vector.shape_cast %swap3A_435 : vector<1x16xi32> to vector<16xi32>
      %swap3A_437 = vector.shape_cast %get3A_431 : vector<16xi32> to vector<1x16xi32>
      tpu.vector_store %arg8[%swap3A_433, %swap3A_434], %swap3A_437 {strides = array<i32>} : memref<5x80xi32, #tpu.memory_space<vmem>>, vector<1x16xi32>,
      %add3A_438 = arith.constant 320 : i32
      %add3A_439 = arith.addi %mul3A_129, %add3A_438 : i32
      %add3A_440 = arith.constant 48 : i32
      %add3A_441 = arith.addi %add3A_439, %add3A_440 : i32
      %get3A_442 = arith.index_cast %add3A_441 : i32 to index
      %get3A_443 = tpu.vector_load %arg6[%get3A_442] {strides = array<i32>} : memref<1200xi32, #tpu.memory_space<vmem>>, vector<16xi32>,
      %get3A_444 = vector.shape_cast %get3A_443 : vector<16xi32> to vector<16xi32>
      %swap3A_445 = arith.constant 4 : i32
      %swap3A_446 = arith.index_cast %swap3A_445 : i32 to index
      %swap3A_447 = arith.constant 48 : index
      %swap3A_448 = tpu.vector_load %arg8[%swap3A_446, %swap3A_447] {strides = array<i32>} : memref<5x80xi32, #tpu.memory_space<vmem>>, vector<1x16xi32>,
      %swap3A_449 = vector.shape_cast %swap3A_448 : vector<1x16xi32> to vector<16xi32>
      %swap3A_450 = vector.shape_cast %get3A_444 : vector<16xi32> to vector<1x16xi32>
      tpu.vector_store %arg8[%swap3A_446, %swap3A_447], %swap3A_450 {strides = array<i32>} : memref<5x80xi32, #tpu.memory_space<vmem>>, vector<1x16xi32>,
      %add3A_451 = arith.constant 320 : i32
      %add3A_452 = arith.addi %mul3A_129, %add3A_451 : i32
      %add3A_453 = arith.constant 64 : i32
      %add3A_454 = arith.addi %add3A_452, %add3A_453 : i32
      %get3A_455 = arith.index_cast %add3A_454 : i32 to index
      %get3A_456 = tpu.vector_load %arg6[%get3A_455] {strides = array<i32>} : memref<1200xi32, #tpu.memory_space<vmem>>, vector<16xi32>,
      %get3A_457 = vector.shape_cast %get3A_456 : vector<16xi32> to vector<16xi32>
      %swap3A_458 = arith.constant 4 : i32
      %swap3A_459 = arith.index_cast %swap3A_458 : i32 to index
      %swap3A_460 = arith.constant 64 : index
      %swap3A_461 = tpu.vector_load %arg8[%swap3A_459, %swap3A_460] {strides = array<i32>} : memref<5x80xi32, #tpu.memory_space<vmem>>, vector<1x16xi32>,
      %swap3A_462 = vector.shape_cast %swap3A_461 : vector<1x16xi32> to vector<16xi32>
      %swap3A_463 = vector.shape_cast %get3A_457 : vector<16xi32> to vector<1x16xi32>
      tpu.vector_store %arg8[%swap3A_459, %swap3A_460], %swap3A_463 {strides = array<i32>} : memref<5x80xi32, #tpu.memory_space<vmem>>, vector<1x16xi32>,
      %scan3A_464 = arith.constant 0 : i32
      %scan3A_465 = arith.constant 0 : i32
      %scan3A_466 = arith.constant 5 : i32
      %scan3A_467 = arith.addi %scan3A_465, %scan3A_466 : i32
      %scan3A_468 = arith.constant 1 : i32
      scf.for %scan3A_470 = %scan3A_465 to %scan3A_467 step %scan3A_468  : i32 {
        %mul3A_471 = arith.constant 5 : i32
        %mul3A_472 = arith.muli %scan3A_126, %mul3A_471 : i32
        %add3A_473 = arith.addi %mul3A_472, %scan3A_470 : i32
        %mul3A_474 = arith.constant 80 : i32
        %mul3A_475 = arith.muli %scan3A_470, %mul3A_474 : i32
        %add3A_476 = arith.addi %mul3A_129, %mul3A_475 : i32
        %rem3A_477 = arith.constant 4 : i32
        %rem3A_478 = arith.remsi %add3A_473, %rem3A_477 : i32
        %dma_wait3A_479 = arith.constant 0 : i32
        %dma_wait3A_480 = arith.constant 0 : i32
        %dma_wait3A_481 = tpu.memref_slice %arg9[%rem3A_478, %dma_wait3A_479, %dma_wait3A_480] : memref<4x80x128xf32, #tpu.memory_space<vmem>> -> memref<1x80x128xf32, #tpu.memory_space<vmem>>
        %dma_wait3A_482 = tpu.memref_squeeze %dma_wait3A_481 : memref<1x80x128xf32, #tpu.memory_space<vmem>> -> memref<80x128xf32, #tpu.memory_space<vmem>>
        %dma_wait3A_483 = tpu.memref_slice %arg7[%add3A_476] : memref<1200xi32, #tpu.memory_space<vmem>> -> memref<80xi32, #tpu.memory_space<vmem>>
        %dma_wait3A_484 = arith.constant 0 : i32
        %dma_wait3A_485 = arith.constant 0 : i32
        %dma_wait3A_486 = tpu.memref_slice %arg4[%dma_wait3A_484, %dma_wait3A_485] : memref<10000x128xf32, #tpu.memory_space<hbm>> -> memref<10000x128xf32, #tpu.memory_space<hbm>>
        tpu.wait_indirect_dma semaphore(%arg12 : memref<!tpu.dma_semaphore, #tpu.memory_space<semaphore_mem>>) src(%dma_wait3A_486 : memref<10000x128xf32, #tpu.memory_space<hbm>>) dst(%dma_wait3A_482 : memref<80x128xf32, #tpu.memory_space<vmem>>)
        %add3A_487 = arith.constant 3 : i32
        %add3A_488 = arith.addi %add3A_473, %add3A_487 : i32
        %le3A_489 = arith.constant 124 : i32
        %le3A_490 = arith.cmpi sle, %add3A_488, %le3A_489 : i32
        %convert_element_type3A_491 = arith.extui %le3A_490 : i1 to i32
        %cond3A_492 = arith.constant 0 : i32
        %cond3A_493 = arith.cmpi ne, %convert_element_type3A_491, %cond3A_492 : i32
        scf.if %cond3A_493 {
          %div3A = arith.constant 5 : i32
          %div3A_496 = arith.divsi %add3A_488, %div3A : i32
          %rem3A_497 = arith.constant 3 : i32
          %rem3A_498 = arith.remsi %div3A_496, %rem3A_497 : i32
          %mul3A_499 = arith.constant 400 : i32
          %mul3A_500 = arith.muli %rem3A_498, %mul3A_499 : i32
          %rem3A_501 = arith.constant 5 : i32
          %rem3A_502 = arith.remsi %add3A_488, %rem3A_501 : i32
          %mul3A_503 = arith.constant 80 : i32
          %mul3A_504 = arith.muli %rem3A_502, %mul3A_503 : i32
          %add3A_505 = arith.addi %mul3A_500, %mul3A_504 : i32
          %rem3A_506 = arith.constant 4 : i32
          %rem3A_507 = arith.remsi %add3A_488, %rem3A_506 : i32
          %dma_start3A_508 = arith.constant 0 : i32
          %dma_start3A_509 = arith.constant 0 : i32
          %dma_start3A_510 = tpu.memref_slice %arg9[%rem3A_507, %dma_start3A_508, %dma_start3A_509] : memref<4x80x128xf32, #tpu.memory_space<vmem>> -> memref<1x80x128xf32, #tpu.memory_space<vmem>>
          %dma_start3A_511 = tpu.memref_squeeze %dma_start3A_510 : memref<1x80x128xf32, #tpu.memory_space<vmem>> -> memref<80x128xf32, #tpu.memory_space<vmem>>
          %dma_start3A_512 = tpu.memref_slice %arg7[%add3A_505] : memref<1200xi32, #tpu.memory_space<vmem>> -> memref<80xi32, #tpu.memory_space<vmem>>
          %dma_start3A_513 = arith.constant 0 : i32
          %dma_start3A_514 = arith.constant 0 : i32
          %dma_start3A_515 = tpu.memref_slice %arg4[%dma_start3A_513, %dma_start3A_514] : memref<10000x128xf32, #tpu.memory_space<hbm>> -> memref<10000x128xf32, #tpu.memory_space<hbm>>
          tpu.enqueue_indirect_dma source(%dma_start3A_515 : memref<10000x128xf32, #tpu.memory_space<hbm>>) target(%dma_start3A_511 : memref<80x128xf32, #tpu.memory_space<vmem>>) offsets(%dma_start3A_512 : memref<80xi32, #tpu.memory_space<vmem>>) semaphore(%arg12 : memref<!tpu.dma_semaphore, #tpu.memory_space<semaphore_mem>>)
        } else {
        }
        %rem3A_494 = arith.constant 4 : i32
        %rem3A_495 = arith.remsi %add3A_473, %rem3A_494 : i32
        "tpu.region"() ({
          %run_scoped3A_496 = tpu.sem_alloc : memref<!tpu.dma_semaphore, #tpu.memory_space<semaphore_mem>>
          %dma_start3A_497 = arith.constant 0 : i32
          %dma_start3A_498 = arith.constant 0 : i32
          %dma_start3A_499 = tpu.memref_slice %arg9[%rem3A_495, %dma_start3A_497, %dma_start3A_498] : memref<4x80x128xf32, #tpu.memory_space<vmem>> -> memref<1x80x128xf32, #tpu.memory_space<vmem>>
          %dma_start3A_500 = tpu.memref_squeeze %dma_start3A_499 : memref<1x80x128xf32, #tpu.memory_space<vmem>> -> memref<80x128xf32, #tpu.memory_space<vmem>>
          %dma_start3A_501 = arith.constant 0 : i32
          %dma_start3A_502 = tpu.memref_slice %arg8[%scan3A_470, %dma_start3A_501] : memref<5x80xi32, #tpu.memory_space<vmem>> -> memref<1x80xi32, #tpu.memory_space<vmem>>
          %dma_start3A_503 = tpu.memref_squeeze %dma_start3A_502 : memref<1x80xi32, #tpu.memory_space<vmem>> -> memref<80xi32, #tpu.memory_space<vmem>>
          %dma_start3A_504 = arith.constant 0 : i32
          %dma_start3A_505 = arith.constant 0 : i32
          %dma_start3A_506 = tpu.memref_slice %arg10[%dma_start3A_504, %dma_start3A_505] : memref<10240x128xf32, #tpu.memory_space<vmem_shared>> -> memref<10240x128xf32, #tpu.memory_space<vmem_shared>>
          tpu.enqueue_indirect_dma source(%dma_start3A_500 : memref<80x128xf32, #tpu.memory_space<vmem>>) target(%dma_start3A_506 : memref<10240x128xf32, #tpu.memory_space<vmem_shared>>) offsets(%dma_start3A_503 : memref<80xi32, #tpu.memory_space<vmem>>) semaphore(%run_scoped3A_496 : memref<!tpu.dma_semaphore, #tpu.memory_space<semaphore_mem>>) {add = true}
          %dma_wait3A_507 = arith.constant 0 : i32
          %dma_wait3A_508 = arith.constant 0 : i32
          %dma_wait3A_509 = tpu.memref_slice %arg9[%rem3A_495, %dma_wait3A_507, %dma_wait3A_508] : memref<4x80x128xf32, #tpu.memory_space<vmem>> -> memref<1x80x128xf32, #tpu.memory_space<vmem>>
          %dma_wait3A_510 = tpu.memref_squeeze %dma_wait3A_509 : memref<1x80x128xf32, #tpu.memory_space<vmem>> -> memref<80x128xf32, #tpu.memory_space<vmem>>
          %dma_wait3A_511 = arith.constant 0 : i32
          %dma_wait3A_512 = tpu.memref_slice %arg8[%scan3A_470, %dma_wait3A_511] : memref<5x80xi32, #tpu.memory_space<vmem>> -> memref<1x80xi32, #tpu.memory_space<vmem>>
          %dma_wait3A_513 = tpu.memref_squeeze %dma_wait3A_512 : memref<1x80xi32, #tpu.memory_space<vmem>> -> memref<80xi32, #tpu.memory_space<vmem>>
          %dma_wait3A_514 = arith.constant 0 : i32
          %dma_wait3A_515 = arith.constant 0 : i32
          %dma_wait3A_516 = tpu.memref_slice %arg10[%dma_wait3A_514, %dma_wait3A_515] : memref<10240x128xf32, #tpu.memory_space<vmem_shared>> -> memref<10240x128xf32, #tpu.memory_space<vmem_shared>>
          tpu.wait_indirect_dma semaphore(%run_scoped3A_496 : memref<!tpu.dma_semaphore, #tpu.memory_space<semaphore_mem>>) src(%dma_wait3A_510 : memref<80x128xf32, #tpu.memory_space<vmem>>) dst(%dma_wait3A_516 : memref<10240x128xf32, #tpu.memory_space<vmem_shared>>)
          tpu.yield
        }) : () -> ()
      }
      %scan3A_469 = arith.constant 5 : i32
    }
    %scan3A_120 = arith.constant 25 : i32
    "tpu.trace_stop"() : () -> ()
    "tpu.trace_start"() <{level = 10 : i32, message = "writeback"}> : () -> ()
    %barrier3A_121 = arith.constant 0 : index
    tpu.barrier barrier_id(%barrier3A_121)
    %mul3A_122 = arith.constant 640 : i32
    %mul3A_123 = arith.muli %arg1, %mul3A_122 : i32
    %mul3A_124 = arith.constant 640 : i32
    %mul3A_125 = arith.muli %arg1, %mul3A_124 : i32
    "tpu.region"() ({
      %run_scoped3A_126 = tpu.sem_alloc : memref<!tpu.dma_semaphore, #tpu.memory_space<semaphore_mem>>
      %dma_start3A_127 = arith.constant 0 : i32
      %dma_start3A_128 = tpu.memref_slice %arg5[%arg0, %mul3A_125, %dma_start3A_127] : memref<2x10240x128xf32, #tpu.memory_space<hbm>> -> memref<1x640x128xf32, #tpu.memory_space<hbm>>
      %dma_start3A_129 = tpu.memref_squeeze %dma_start3A_128 : memref<1x640x128xf32, #tpu.memory_space<hbm>> -> memref<640x128xf32, #tpu.memory_space<hbm>>
      %dma_start3A_130 = arith.constant 0 : i32
      %dma_start3A_131 = tpu.memref_slice %arg10[%mul3A_123, %dma_start3A_130] : memref<10240x128xf32, #tpu.memory_space<vmem_shared>> -> memref<640x128xf32, #tpu.memory_space<vmem_shared>>
      tpu.enqueue_dma source(%dma_start3A_131 : memref<640x128xf32, #tpu.memory_space<vmem_shared>>) target(%dma_start3A_129 : memref<640x128xf32, #tpu.memory_space<hbm>>) target_semaphore(%run_scoped3A_126 : memref<!tpu.dma_semaphore, #tpu.memory_space<semaphore_mem>>)
      %dma_wait3A_132 = arith.constant 0 : i32
      %dma_wait3A_133 = tpu.memref_slice %arg5[%arg0, %mul3A_125, %dma_wait3A_132] : memref<2x10240x128xf32, #tpu.memory_space<hbm>> -> memref<1x640x128xf32, #tpu.memory_space<hbm>>
      %dma_wait3A_134 = tpu.memref_squeeze %dma_wait3A_133 : memref<1x640x128xf32, #tpu.memory_space<hbm>> -> memref<640x128xf32, #tpu.memory_space<hbm>>
      %dma_wait3A_135 = arith.constant 0 : i32
      %dma_wait3A_136 = tpu.memref_slice %arg10[%mul3A_123, %dma_wait3A_135] : memref<10240x128xf32, #tpu.memory_space<vmem_shared>> -> memref<640x128xf32, #tpu.memory_space<vmem_shared>>
      tpu.wait_dma2 semaphore(%run_scoped3A_126 : memref<!tpu.dma_semaphore, #tpu.memory_space<semaphore_mem>>) src(%dma_wait3A_136 : memref<640x128xf32, #tpu.memory_space<vmem_shared>>) dst(%dma_wait3A_134 : memref<640x128xf32, #tpu.memory_space<hbm>>)
      tpu.yield
    }) : () -> ()
    "tpu.trace_stop"() : () -> ()
    return
  }
}

module attributes {stable_mosaic.version = 14 : i64} {
  func.func @_tc_matmul_body(%arg0: i32, %arg1: memref<2x2000x128xf32, #tpu.memory_space<vmem>>, %arg2: memref<128x128xf32, #tpu.memory_space<vmem>>, %arg3: memref<2000x128xf32, #tpu.memory_space<vmem>>) attributes {dimension_semantics = [#tpu.dimension_semantics<arbitrary>], iteration_bounds = array<i64: 5>, scalar_prefetch = 0 : i64, scratch_operands = 0 : i64, tpu.core_type = #tpu.core_type<tc>, window_params = [{transform_indices = @transform_0, window_bounds = array<i64: 2, 2000, 128>}, {pipeline_mode = #tpu.pipeline_mode<synchronous>, transform_indices = @transform_1, window_bounds = array<i64: 128, 128>}, {transform_indices = @transform_2, window_bounds = array<i64: 2000, 128>}]} {
    %get3A = arith.constant 0 : index
    %get3A_0 = arith.constant 0 : index
    %get3A_1 = arith.constant 0 : index
    %get3A_2 = vector.load %arg1[%get3A, %get3A_0, %get3A_1] : memref<2x2000x128xf32, #tpu.memory_space<vmem>>, vector<1x2000x128xf32>
    %get3A_3 = vector.shape_cast %get3A_2 : vector<1x2000x128xf32> to vector<2000x128xf32>
    %get3A_4 = arith.constant 1 : index
    %get3A_5 = arith.constant 0 : index
    %get3A_6 = arith.constant 0 : index
    %get3A_7 = vector.load %arg1[%get3A_4, %get3A_5, %get3A_6] : memref<2x2000x128xf32, #tpu.memory_space<vmem>>, vector<1x2000x128xf32>
    %get3A_8 = vector.shape_cast %get3A_7 : vector<1x2000x128xf32> to vector<2000x128xf32>
    %add3A = arith.addf %get3A_3, %get3A_8 : vector<2000x128xf32>
    %get3A_9 = arith.constant 0 : index
    %get3A_10 = arith.constant 0 : index
    %get3A_11 = vector.load %arg2[%get3A_9, %get3A_10] : memref<128x128xf32, #tpu.memory_space<vmem>>, vector<128x128xf32>
    %dot_general3A = arith.constant dense<0.000000e+00> : vector<2000x128xf32>
    %dot_general3A_12 = tpu.matmul %add3A, %get3A_11, %dot_general3A {dimension_numbers = #tpu.dot_dimension_numbers<[1], [1], [0], [0], [0, 0, 1, 0], [], []>, transpose_lhs_hint = false} : vector<2000x128xf32>, vector<128x128xf32>, vector<2000x128xf32> -> vector<2000x128xf32>
    %swap3A = arith.constant 0 : index
    %swap3A_13 = arith.constant 0 : index
    %swap3A_14 = vector.load %arg3[%swap3A, %swap3A_13] : memref<2000x128xf32, #tpu.memory_space<vmem>>, vector<2000x128xf32>
    tpu.vector_store %arg3[%swap3A, %swap3A_13], %dot_general3A_12 {strides = array<i32>} : memref<2000x128xf32, #tpu.memory_space<vmem>>, vector<2000x128xf32>,
    return
  }
  func.func @transform_0(%arg0: i32) -> (i32, i32, i32) {
    %c0_i32 = arith.constant 0 : i32
    %c0_i32_0 = arith.constant 0 : i32
    %c0_i32_1 = arith.constant 0 : i32
    return %c0_i32, %arg0, %c0_i32_0 : i32, i32, i32
  }
  func.func @transform_1(%arg0: i32) -> (i32, i32) {
    %c0_i32 = arith.constant 0 : i32
    %c0_i32_0 = arith.constant 0 : i32
    %c0_i32_1 = arith.constant 0 : i32
    return %c0_i32, %c0_i32_0 : i32, i32
  }
  func.func @transform_2(%arg0: i32) -> (i32, i32) {
    %c0_i32 = arith.constant 0 : i32
    %c0_i32_0 = arith.constant 0 : i32
    return %arg0, %c0_i32 : i32, i32
  }
}

</mosaic_0001>

<sc_bundles>
// kernel: kernel.4.cloned.1.call-start
scs
__scs_entry_jumppad:
0x0: {  	(pc) =	sbr.rel $0x88, $3  }
0x1: {  	(tag) =	ssettag $0x0;
	lr =	simm.s32 $0x1  }
0x2: {  	[smem:$0x3F9E] =	sst lr;
	_ =	strace $0xD0000000  }
0x3: {  	_ = 	snop  }
0x4: {  	_ = 	snop  }
0x5: {  	_ = 	snop  }
0x6: {  	_ = 	snop  }
0x7: {  	_ = 	snop  }
__scs_overlays_trampoline_lowered:
0x8: {  	[smem:$0x3FAD] =	sst s0  }
0x9: {  	[smem:$0x3FAE] =	sst s1  }
0xa: {  	[smem:$0x3FAF] =	sst s2  }
0xb: {  	[smem:$0x3FB0] =	sst s3  }
0xc: {  	[smem:$0x3FB1] =	sst s4  }
0xd: {  	[smem:$0x3FB2] =	sst s5  }
0xe: {  	[smem:$0x3FB3] =	sst s6  }
0xf: {  	[smem:$0x3FB4] =	sst s7  }
0x10: {  	[smem:$0x3FB5] =	sst s8  }
0x11: {  	[smem:$0x3FB6] =	sst s9;
	s0 =	simm.s32 @!p0 $0x0  }
0x12: {  	s1 =	sld [smem:$0x3F9C];
	s0 =	simm.s32 @p0 $0x1  }
0x13: {  	[smem:$0x3FB7] =	sst s0;
	s0 =	simm.s32 @!p1 $0x0  }
0x14: {  	s2 =	sld [smem:$0x3F9B];
	s0 =	simm.s32 @p1 $0x1  }
0x15: {  	[smem:$0x3FB8] =	sst s0;
	s0 =	simm.s32 @!p2 $0x0  }
0x16: {  	s3 =	sld [smem:$0x3FDB];
	s0 =	simm.s32 @p2 $0x1  }
0x17: {  	s4 =	simm.s32 $0x1BF5;
	[smem:$0x3FBA] =	sst s0  }
0x18: {  	s0 =	sld [smem:$0x3F9D];
	_ =	swait.ge [sflag:s4], $0x0  }
0x19: {  	s7 =	sld [smem:$0x3F9E]  }
0x1a: {  	s8 =	sadd.s32 $0xFFFFE003, lr  }
0x1b: {  	s9 =	sadd.s32 $0xFFFFFEF7, lr;
	s5 =	simm.s32 $0xFFFFFFFF;
	p2 =	slt.u32 s8, $0xFFFFF086  }
0x1c: {  	p1 =	slt.u32 s9, $0xF7A;
	s5 =	simm.s32 @!p2 $0x0  }
0x1d: {  	s5 =	simm.s32 @p1 $0x1;
	p0 =	seq.s32 s7, s2  }
0x1e: {  	s7 =	smul.u32 @!p0 $0xF7A, s2;
	p2 =	seq.s32 @!p0 s5, $0x0  }
0x1f: {  	s9 =	smul.u32 $0xF7A, s1;
	s8 =	simm.s32 @!p0 $0x1BF5;
	p2 =	por !p2, p0  }
0x20: {  	[sflag:s8] =	ssyncset.s32 @!p0 $0xFFFFF086;
	s6 =	sadd.s32 @!p0 s3, s7;
	s7 =	simm.s32 @!p0 $0x108  }
0x21: {  	s3 =	sadd.s32 s3, s9;
	s6 =	sadd.s32 @!p0 $0x88, s6;
	s7 =	simm.s32 @p2 $0x1082  }
0x22: {  	[simem:s7], [sflag:s8] =	dma.local @!p0 [hbm:s6], $0xF7A  }
0x23: {  	s9 =	sor.u32 $0xD0000000, s2;
	s6 =	simm.s32 $0x108;
	_ =	swait.ge @!p0 [sflag:s8], $0x0  }
0x24: {  	s3 =	sadd.s32 $0x88, s3;
	s6 =	simm.s32 @!p1 $0x1082;
	[sflag:s4] =	ssyncset.s32 $0xFFFFF086  }
0x25: {  	[simem:s6], [sflag:s4] =	dma.local [hbm:s3], $0xF7A  }
0x26: {  	[smem:$0x3F9E] =	sst s1;
	(tag) =	ssettag s2;
	_ =	strace s9  }
0x27: {  	s1 =	sld [smem:$0x3FAE]  }
0x28: {  	s2 =	sld [smem:$0x3FAF]  }
0x29: {  	s4 =	sld [smem:$0x3FB1]  }
0x2a: {  	p0 =	seq.s32 s5, $0x0;
	s5 =	sld [smem:$0x3FB2]  }
0x2b: {  	s6 =	sld [smem:$0x3FB3]  }
0x2c: {  	s7 =	sld [smem:$0x3FB4]  }
0x2d: {  	s3 =	simm.s32 $0x108;
	s8 =	sld [smem:$0x3FB5]  }
0x2e: {  	s3 =	simm.s32 @!p0 $0x1082;
	s9 =	sld [smem:$0x3FB6]  }
0x2f: {  	lr =	sadd.s32 s0, s3;
	s0 =	sld [smem:$0x3FAD]  }
0x30: {  	s3 =	sld [smem:$0x3FB0]  }
0x31: {  	[smem:$0x3FB9] =	sst s10  }
0x32: {  	s10 =	sld [smem:$0x3FB7];
	_ =	sdelay $0x3  }
0x33: {  	p0 =	seq.s32 s10, $0x1;
	s10 =	sld [smem:$0x3FB9];
	_ =	sdelay $0x3  }
0x34: {  	[smem:$0x3FB9] =	sst s10  }
0x35: {  	s10 =	sld [smem:$0x3FB8];
	_ =	sdelay $0x3  }
0x36: {  	p1 =	seq.s32 s10, $0x1;
	s10 =	sld [smem:$0x3FB9];
	_ =	sdelay $0x3  }
0x37: {  	[smem:$0x3FB9] =	sst s10  }
0x38: {  	s10 =	sld [smem:$0x3FBA]  }
0x39: {  	_ = 	snop;
	(pc) =	sbr.ind lr, $3  }
0x3a: {  	_ = 	snop  }
0x3b: {  	_ = 	snop  }
0x3c: {  	p2 =	seq.s32 s10, $0x1;
	s10 =	sld [smem:$0x3FB9]  }
0x3d: {  	_ =	shalt  }
0x3e: {  	_ =	shalt  }
0x3f: {  	_ =	shalt  }
0x40: {  	_ =	shalt  }
0x41: {  	_ =	shalt  }
0x42: {  	_ =	shalt  }
0x43: {  	_ =	shalt  }
0x44: {  	_ =	shalt  }
0x45: {  	_ =	shalt  }
0x46: {  	_ =	shalt  }
0x47: {  	_ =	shalt  }
0x48: {  	_ =	shalt  }
0x49: {  	_ =	shalt  }
0x4a: {  	_ =	shalt  }
0x4b: {  	_ =	shalt  }
0x4c: {  	_ =	shalt  }
0x4d: {  	_ =	shalt  }
0x4e: {  	_ =	shalt  }
0x4f: {  	_ =	shalt  }
0x50: {  	_ =	shalt  }
0x51: {  	_ =	shalt  }
0x52: {  	_ =	shalt  }
0x53: {  	_ =	shalt  }
0x54: {  	_ =	shalt  }
0x55: {  	_ =	shalt  }
0x56: {  	_ =	shalt  }
0x57: {  	_ =	shalt  }
0x58: {  	_ =	shalt  }
0x59: {  	_ =	shalt  }
0x5a: {  	_ =	shalt  }
0x5b: {  	_ =	shalt  }
0x5c: {  	_ =	shalt  }
0x5d: {  	_ =	shalt  }
0x5e: {  	_ =	shalt  }
0x5f: {  	_ =	shalt  }
0x60: {  	_ =	shalt  }
0x61: {  	_ =	shalt  }
0x62: {  	_ =	shalt  }
0x63: {  	_ =	shalt  }
0x64: {  	_ =	shalt  }
0x65: {  	_ =	shalt  }
0x66: {  	_ =	shalt  }
0x67: {  	_ =	shalt  }
0x68: {  	_ =	shalt  }
0x69: {  	_ =	shalt  }
0x6a: {  	_ =	shalt  }
0x6b: {  	_ =	shalt  }
0x6c: {  	_ =	shalt  }
0x6d: {  	_ =	shalt  }
0x6e: {  	_ =	shalt  }
0x6f: {  	_ =	shalt  }
0x70: {  	_ =	shalt  }
0x71: {  	_ =	shalt  }
0x72: {  	_ =	shalt  }
0x73: {  	_ =	shalt  }
0x74: {  	_ =	shalt  }
0x75: {  	_ =	shalt  }
0x76: {  	_ =	shalt  }
0x77: {  	_ =	shalt  }
0x78: {  	_ =	shalt  }
0x79: {  	_ =	shalt  }
0x7a: {  	_ =	shalt  }
0x7b: {  	_ =	shalt  }
0x7c: {  	_ =	shalt  }
0x7d: {  	_ =	shalt  }
0x7e: {  	_ =	shalt  }
0x7f: {  	_ =	shalt  }
0x80: {  	_ =	shalt  }
0x81: {  	_ =	shalt  }
0x82: {  	_ =	shalt  }
0x83: {  	_ =	shalt  }
0x84: {  	_ =	shalt  }
0x85: {  	_ =	shalt  }
0x86: {  	_ =	shalt  }
0x87: {  	_ =	shalt  }
.Lfunc_end0:
.L_simem_size_0:
called_computation_lowered:
.L_overlay_start_0:
0x88: {  	s2 =	sld [smem:$0x3FD9]  }
0x89: {  	s3 =	sld [smem:$0x3FFE];
	_ =	sdelay $0x1  }
0x8a: {  	s1 =	srdreg.scid  }
0x8b: {  	s0 =	sand.u32 $0x1, s1  }
0x8c: {  	s17 =	sshll.u32 s0, $0xA;
	s2 =	sadd.s32 s3, s2  }
0x8d: {  	s2 =	sadd.s32 s2, s17  }
0x8e: {  	[smem:$0x3FC5] =	sst s2  }
0x8f: {  	_ = 	snop  }
0x90: {  	s2 =	sld [smem:$0x3FC9]  }
0x91: {  	s18 =	sld [smem:$0x3FD0];
	(tm) =	ssettm $0x1  }
0x92: {  	s4 =	sld [smem:$0x3FFB];
	_ =	sdelay $0x3  }
0x93: {  	_ =	strace s4  }
0x94: {  	s4 =	sld [smem:$0x3FFC];
	_ =	sdelay $0x3  }
0x95: {  	_ =	strace s4  }
0x96: {  	s4 =	sld [smem:$0x3FFD];
	_ =	sdelay $0x3  }
0x97: {  	_ =	strace s4  }
0x98: {  	_ =	strace $0x8FFFFFFF  }
0x99: {  	s19 =	sld [smem:$0x3FDB];
	_ =	sdelay $0x1  }
0x9a: {  	s5 =	simm.s32 $_scs_section_size  }
0x9b: {  	s6 =	simm.s32 $_size__tile_overlayer_lowered;
	s7 =	simm.s32 $_tile_overlayer_lowered  }
0x9c: {  	s22 =	simm.s32 $0x1BFF;
	s21 =	sshll.u32 s7, $0x1;
	s4 =	sadd.s32 s5, s19  }
0x9d: {  	s8 =	simm.s32 $0x0;
	s20 =	sshll.u32 s6, $0x1;
	s6 =	sadd.s32 s21, s4  }
0x9e: {  	[timem:s8], [sflag:s22] =	dma.local [hbm:s6], s20  }
0x9f: {  	_ =	swait.ge [sflag:s22], s20  }
0xa0: {  	s5 =	ssub.s32 $0x0, s20;
	[sflag:s22] =	ssyncset.done $0x0  }
0xa1: {  	[sflag:s22] =	ssyncadd.s32 s5;
	_ =	sdelay $0x1  }
0xa2: {  	s23 =	simm.s32 $0x1B8B  }
0xa3: {  	_ =	swait.ge [sflag:s23], $0x1  }
0xa4: {  	[sflag:s23] =	ssyncset.done $0x0  }
0xa5: {  	s25 =	simm.s32 $0x1B8E;
	s24 =	sld [smem:$0x3FFE];
	[sflag:s23] =	ssyncadd.s32 $0xFFFFFFFF  }
0xa6: {  	s26 =	simm.s32 $execute0_lowered;
	[smem:$0x3FD2] =	sst s25  }
0xa7: {  	s6 =	sshll.u32 s26, $0x1;
	_ =	strace $0x80000046;
	[dreg:$0x1] =	wrdreg $0xFFFFFFFF  }
0xa8: {  	s28 =	simm.s32 $_size_execute0_lowered;
	s4 =	sadd.s32 s4, s6;
	[dreg:$0x0] =	wrdreg $0x0  }
0xa9: {  	s6 =	sshll.u32 s28, $0x1;
	[dreg:$0x2] =	wrdreg s4  }
0xaa: {  	[dreg:$0x3] =	wrdreg s6  }
0xab: {  	[dreg:$0x4] =	wrdreg $0xC0  }
0xac: {  	_ =	task [dreg:s8], $0x5FFFF  }
0xad: {  	[dreg:$0x1] =	wrdreg $0xFFFFFFFF  }
0xae: {  	[dreg:$0x0] =	wrdreg $0x60  }
0xaf: {  	[dreg:$0x2] =	wrdreg s24  }
0xb0: {  	[dreg:$0x3] =	wrdreg s18  }
0xb1: {  	[dreg:$0x4] =	wrdreg s2  }
0xb2: {  	[dreg:$0x5] =	wrdreg $0xAE000  }
0xb3: {  	[dreg:$0x6] =	wrdreg $0x9  }
0xb4: {  	_ =	task.clear_ibuf [dreg:s8], $0x7FFFF;
	_ =	strace $0x90000046  }
0xb5: {  	s29 =	simm.s32 $0x9;
	_ =	strace $0x8000004B  }
0xb6: {  	_ =	swait.ge [sflag:s29], $0x1  }
0xb7: {  	[sflag:s29] =	ssyncadd.s32 $0xFFFFFFFF  }
0xb8: {  	_ =	strace $0x9000004B  }
0xb9: {  	_ =	sfence  }
0xba: {  	s30 =	sld [smem:$0x0];
	_ =	sdelay $0x2  }
0xbb: {  	s31 =	sshll.u32 s1, $0xD;
	s1 =	sshrl.u32 s1, $0x2  }
0xbc: {  	s3 =	sand.u32 $0x4000, s31;
	s1 =	sadd.s32 s1, s30  }
0xbd: {  	s0 =	sor.u32 s3, s0;
	s1 =	sshll.u32 s1, $0x11  }
0xbe: {  	s0 =	sor.u32 s1, s0  }
0xbf: {  	s0 =	sadd.s32 $0x8F2B, s0  }
0xc0: {  	[sflag:s0] =	ssyncadd.remote.s32 $0x1  }
0xc1: {  	_ =	sfence.sel $0xFFFF  }
0xc2: {  	[dreg:$0x0] =	wrdreg $0xFFFFFFFF;
	(pc) =	sbr.abs _section_cstart, $3  }
0xc3: {  	[dreg:$0x1] =	wrdreg $0xFFFFFFFF  }
0xc4: {  	_ =	task.clear_ibuf [dreg:s8], $0x2FFFF;
	_ =	strace $0x9FFFFFFF  }
0xc5: {  	(tm) =	ssettm $0x7FFFFFFF  }
tec
execute0_lowered:
.L_overlay_start_1:
0x0: {  	(tag) =	ssettag $0x1  }
0x1: {  	s0 =	rddreg [dreg:$0x0]  }
0x2: {  	s2 =	rddreg [dreg:$0x1];
	s1 =	srdreg.scid  }
0x3: {  	s4 =	rddreg [dreg:$0x2];
	s10 =	stileid.u32  }
0x4: {  	s5 =	rddreg [dreg:$0x3];
	s1 =	sand.u32 $0x1, s1;
	s20 =	smul.u32 $0x50000, s10  }
0x5: {  	s6 =	simm.s32 $0x0;
	s28 =	simm.s32 $0x50;
	s8 =	ssub.s32 $0x2, s1  }
0x6: {  	s7 =	smul.u32 $0x14000, s10;
	s9 =	sshrl.u32 s8, $0x1;
	s21 =	sshrl.u32 s20, $0x2  }
0x7: {  	[smem:$0x7FF] =	sst s6;
	s9 =	ssub.s32 s8, s9;
	s8 =	sadd.s32 s21, s5  }
0x8: {  	s3 =	smul.u32 $0x140000, s1;
	_ =	strace $0x80000047;
	s22 =	sadd.s32 $0x2800, s8  }
0x9: {  	s1 =	sshll.u32 s1, $0x4;
	s23 =	sadd.s32 $0x5000, s8;
	[dreg:$0x5] =	wrdreg s22  }
0xa: {  	s1 =	sor.u32 s10, s1;
	s24 =	sadd.s32 $0x7800, s8;
	[dreg:$0x6] =	wrdreg s23  }
0xb: {  	s3 =	sadd.s32 s7, s3;
	s25 =	sadd.s32 $0xA000, s8;
	[dreg:$0x7] =	wrdreg s24  }
0xc: {  	s7 =	smul.u32 $0x2710, s1;
	s26 =	sadd.s32 $0xC800, s8;
	[dreg:$0x8] =	wrdreg s25  }
0xd: {  	s3 =	sshrl.u32 s3, $0x3;
	s10 =	sadd.s32 $0xF000, s8;
	[dreg:$0x9] =	wrdreg s26  }
0xe: {  	s30 =	sadd.s32 $0x11800, s8;
	s21 =	smax.u32 s9, $0x1;
	[dreg:$0xa] =	wrdreg s10  }
0xf: {  	s3 =	sadd.s32 s3, s0;
	s29 =	sshrl.u32 s7, $0x3;
	[dreg:$0xb] =	wrdreg s30  }
0x10: {  	s22 =	simm.s32 $0xE00;
	s23 =	simm.s32 $0x500;
	s26 =	simm.s32 $0x1  }
0x11: {  	s24 =	simm.s32 $0x2;
	s25 =	simm.s32 $0x3;
	s31 =	sadd.s32 $0x32, s29  }
0x12: {  	s11 =	sadd.s32 s0, s29;
	s17 =	sadd.s32 s2, s29;
	s20 =	sadd.s32 $0x9E00, s3  }
0x13: {  	v0 =	vimm.f32 $0.0e+00;
	[dreg:$0xc] =	wrdreg s11;
	s18 =	sadd.s32 s0, s31;
	s19 =	sadd.s32 s2, s31  }
.LBB2_1:
0x14: {  	_ =	strace $0x80000048;
	s1 =	simm.s32 $0x0;
	s3 =	simm.s32 $0x200  }
.LBB2_2:
0x15: {  	p0 =	sne.s32 s3, $0x9E00;
	[tilespmem:s1+$0xE70] =	vst v0  }
0x16: {  	[tilespmem:s1+$0xE00] =	vst v0  }
0x17: {  	[tilespmem:s1+$0xE10] =	vst v0  }
.Ltmp0:
0x18: {  	[tilespmem:s1+$0xE20] =	vst v0;
	(pc) =	sbr.rel @p0 .LBB2_2-.Ltmp0, $4  }
0x19: {  	[tilespmem:s1+$0xE30] =	vst v0  }
0x1a: {  	[tilespmem:s1+$0xE40] =	vst v0  }
0x1b: {  	[tilespmem:s1+$0xE50] =	vst v0  }
0x1c: {  	[tilespmem:s1+$0xE60] =	vst v0;
	s1 =	sshra.s32 s3, $0x2;
	s3 =	sadd.s32 $0x200, s3  }
0x1d: {  	[tilespmem:s1+$0xE70] =	vst v0  }
0x1e: {  	[tilespmem:s1+$0xE00] =	vst v0  }
0x1f: {  	[tilespmem:s1+$0xE10] =	vst v0  }
0x20: {  	[tilespmem:s1+$0xE20] =	vst v0  }
0x21: {  	[tilespmem:s1+$0xE30] =	vst v0  }
0x22: {  	[tilespmem:s1+$0xE40] =	vst v0  }
0x23: {  	[tilespmem:s1+$0xE50] =	vst v0  }
0x24: {  	[tilespmem:s1+$0xE60] =	vst v0;
	s29 =	simm.s32 $0x3  }
0x25: {  	[spmem:s8] =	stream.linear.scatter [tilespmem:s22], [sflag:$0x3], $0x2800, $0x200038;
	[tilespmem:$0x1EE00] =	vst v63  }
0x26: {  	_ =	swait.ge [sflag:s29], $0x2800  }
0x27: {  	[sflag:s29] =	ssyncset.done $0x0  }
0x28: {  	s31 =	rddreg [dreg:$0x5];
	[sflag:s29] =	ssyncadd.s32 $0xFFFFD800  }
0x29: {  	[spmem:s31] =	stream.linear.scatter [tilespmem:s22], [sflag:$0x3], $0x2800, $0x200038;
	[tilespmem:$0x1EE00] =	vst v63  }
0x2a: {  	_ =	swait.ge [sflag:s29], $0x2800  }
0x2b: {  	[sflag:s29] =	ssyncset.done $0x0  }
0x2c: {  	s3 =	rddreg [dreg:$0x6];
	[sflag:s29] =	ssyncadd.s32 $0xFFFFD800  }
0x2d: {  	[spmem:s3] =	stream.linear.scatter [tilespmem:s22], [sflag:$0x3], $0x2800, $0x200038;
	[tilespmem:$0x1EE00] =	vst v63  }
0x2e: {  	_ =	swait.ge [sflag:s29], $0x2800  }
0x2f: {  	[sflag:s29] =	ssyncset.done $0x0  }
0x30: {  	s9 =	rddreg [dreg:$0x7];
	[sflag:s29] =	ssyncadd.s32 $0xFFFFD800  }
0x31: {  	[spmem:s9] =	stream.linear.scatter [tilespmem:s22], [sflag:$0x3], $0x2800, $0x200038;
	[tilespmem:$0x1EE00] =	vst v63  }
0x32: {  	_ =	swait.ge [sflag:s29], $0x2800  }
0x33: {  	[sflag:s29] =	ssyncset.done $0x0  }
0x34: {  	s10 =	rddreg [dreg:$0x8];
	[sflag:s29] =	ssyncadd.s32 $0xFFFFD800  }
0x35: {  	[spmem:s10] =	stream.linear.scatter [tilespmem:s22], [sflag:$0x3], $0x2800, $0x200038;
	[tilespmem:$0x1EE00] =	vst v63  }
0x36: {  	_ =	swait.ge [sflag:s29], $0x2800  }
0x37: {  	[sflag:s29] =	ssyncset.done $0x0  }
0x38: {  	s11 =	rddreg [dreg:$0x9];
	[sflag:s29] =	ssyncadd.s32 $0xFFFFD800  }
0x39: {  	[spmem:s11] =	stream.linear.scatter [tilespmem:s22], [sflag:$0x3], $0x2800, $0x200038;
	[tilespmem:$0x1EE00] =	vst v63  }
0x3a: {  	_ =	swait.ge [sflag:s29], $0x2800  }
0x3b: {  	[sflag:s29] =	ssyncset.done $0x0  }
0x3c: {  	s12 =	rddreg [dreg:$0xa];
	[sflag:s29] =	ssyncadd.s32 $0xFFFFD800  }
0x3d: {  	[spmem:s12] =	stream.linear.scatter [tilespmem:s22], [sflag:$0x3], $0x2800, $0x200038;
	[tilespmem:$0x1EE00] =	vst v63  }
0x3e: {  	_ =	swait.ge [sflag:s29], $0x2800  }
0x3f: {  	[sflag:s29] =	ssyncset.done $0x0  }
0x40: {  	s13 =	rddreg [dreg:$0xb];
	[sflag:s29] =	ssyncadd.s32 $0xFFFFD800  }
0x41: {  	[spmem:s13] =	stream.linear.scatter [tilespmem:s22], [sflag:$0x3], $0x2800, $0x200038;
	[tilespmem:$0x1EE00] =	vst v63  }
0x42: {  	_ =	swait.ge [sflag:s29], $0x2800  }
0x43: {  	[sflag:s29] =	ssyncset.done $0x0  }
0x44: {  	[sflag:s29] =	ssyncadd.s32 $0xFFFFD800  }
0x45: {  	[bflag:$0x0] =	sbarrier.arrive $0xFFFF  }
0x46: {  	_ =	strace $0x90000048  }
0x47: {  	_ =	strace $0x80000049  }
0x48: {  	s1 =	simm.s32 $0x0;
	s3 =	rddreg [dreg:$0xc]  }
0x49: {  	[tilespmem:s1], [sflag:$0x1] =	stream.linear.gather [hbm4b:s3+s1], $0x190, $0x200038;
	[tilespmem:$0x1EE00] =	vst v63  }
0x4a: {  	_ = 	snop  }
0x4b: {  	[tilespmem:s23], [sflag:$0x1] =	stream.linear.gather [hbm4b:s17+s1], $0x190, $0x200038;
	[tilespmem:$0x1EE00] =	vst v63  }
0x4c: {  	s14 =	simm.s32 $0x190  }
0x4d: {  	[tilespmem:s14], [sflag:$0x1] =	stream.linear.gather [hbm4b:s18+s1], $0x190, $0x200038;
	[tilespmem:$0x1EE00] =	vst v63  }
0x4e: {  	s15 =	simm.s32 $0x690  }
0x4f: {  	[tilespmem:s15], [sflag:$0x1] =	stream.linear.gather [hbm4b:s19+s1], $0x190, $0x200038;
	[tilespmem:$0x1EE00] =	vst v63  }
0x50: {  	_ =	swait.ge [sflag:s26], $0x190  }
0x51: {  	[sflag:s26] =	ssyncset.done $0x0  }
0x52: {  	[sflag:s26] =	ssyncadd.s32 $0xFFFFFE70  }
0x53: {  	_ =	swait.ge [sflag:s26], $0x190  }
0x54: {  	[sflag:s26] =	ssyncset.done $0x0  }
0x55: {  	[sflag:s26] =	ssyncadd.s32 $0xFFFFFE70  }
0x56: {  	[tilespmem:s22], [sflag:$0x2] =	stream.indirect.gather [hbm4b:s4+s28], $0x80, s23, s28, $0x2000b8;
	[tilespmem:$0x1EE00] =	vst v63  }
0x57: {  	s16 =	simm.s32 $0x550;
	s9 =	simm.s32 $0x3600  }
0x58: {  	[tilespmem:s9], [sflag:$0x2] =	stream.indirect.gather [hbm4b:s4+s28], $0x80, s16, s28, $0x2000b8;
	[tilespmem:$0x1EE00] =	vst v63  }
0x59: {  	s30 =	simm.s32 $0x5A0;
	s31 =	simm.s32 $0x5E00  }
0x5a: {  	[tilespmem:s31], [sflag:$0x2] =	stream.indirect.gather [hbm4b:s4+s28], $0x80, s30, s28, $0x2000b8;
	[tilespmem:$0x1EE00] =	vst v63  }
.LBB2_5:
0x5b: {  	p1 =	seq.s32 s1, $0x18  }
0x5c: {  	p0 =	sgt.u32 @!p1 s1, $0x16  }
0x5d: {  	p0 =	por p0, p1  }
0x5e: {  	s3 =	smul.u32 $0xAB, s1;
	s9 =	sadd.s32 @!p0 $0x2, s1  }
0x5f: {  	s10 =	smul.u32 @!p0 $0xAB, s9  }
0x60: {  	s3 =	sshrl.u32 s3, $0x9  }
0x61: {  	s11 =	simm.s32 @!p1 $0x1;
	s3 =	sand.u32 $0x7F, s3;
	s10 =	sshrl.u32 @!p0 s10, $0x9  }
0x62: {  	_ =	swait.ge @!p1 [sflag:s11], $0x190;
	s3 =	smul.u32 $0x3, s3;
	s10 =	sand.u32 @!p0 $0x7F, s10  }
0x63: {  	[sflag:s11] =	ssyncset.done @!p1 $0x0;
	s10 =	smul.u32 @!p0 $0x3, s10  }
0x64: {  	s12 =	smul.u32 @!p0 $0x190, s9;
	[sflag:s11] =	ssyncadd.s32 @!p1 $0xFFFFFE70  }
0x65: {  	_ =	swait.ge @!p1 [sflag:s11], $0x190;
	s3 =	ssub.s32 s1, s3;
	s9 =	ssub.s32 @!p0 s9, s10  }
0x66: {  	[sflag:s11] =	ssyncset.done @!p1 $0x0;
	s10 =	sadd.s32 @!p0 s7, s12;
	s9 =	sand.u32 @!p0 $0xFF, s9  }
0x67: {  	s3 =	sand.u32 $0xFF, s3;
	s10 =	sshrl.u32 @!p0 s10, $0x3;
	s9 =	smul.u32 @!p0 $0x190, s9  }
0x68: {  	[sflag:s11] =	ssyncadd.s32 @!p1 $0xFFFFFE70;
	s12 =	simm.s32 @!p0 $0x0;
	s11 =	sadd.s32 @!p0 s0, s10  }
0x69: {  	[tilespmem:s9], [sflag:$0x1] =	stream.linear.gather @!p0 [hbm4b:s11+s12], $0x190, $0x200038;
	[tilespmem:$0x1EE00] =	vst v63  }
0x6a: {  	s3 =	smul.u32 $0x190, s3;
	s10 =	sadd.s32 @!p0 s2, s10;
	s9 =	sadd.s32 @!p0 $0x500, s9  }
0x6b: {  	[tilespmem:s9], [sflag:$0x1] =	stream.linear.gather @!p0 [hbm4b:s10+s12], $0x190, $0x200038;
	[tilespmem:$0x1EE00] =	vst v63  }
0x6c: {  	v1 =	vld [tilespmem:s3+$0x0];
	_ =	sdelay $0x4  }
0x6d: {  	[tilespmem:$0xA00] =	vst v1  }
0x6e: {  	v1 =	vld [tilespmem:s3+$0x10];
	_ =	sdelay $0x4  }
0x6f: {  	[tilespmem:$0xA10] =	vst v1  }
0x70: {  	v1 =	vld [tilespmem:s3+$0x20];
	_ =	sdelay $0x4  }
0x71: {  	[tilespmem:$0xA20] =	vst v1  }
0x72: {  	v1 =	vld [tilespmem:s3+$0x30];
	_ =	sdelay $0x4  }
0x73: {  	[tilespmem:$0xA30] =	vst v1  }
0x74: {  	v1 =	vld [tilespmem:s3+$0x40];
	_ =	sdelay $0x4  }
0x75: {  	[tilespmem:$0xA40] =	vst v1  }
0x76: {  	v1 =	vld [tilespmem:s3+$0x50];
	_ =	sdelay $0x4  }
0x77: {  	[tilespmem:$0xA80] =	vst v1  }
0x78: {  	v1 =	vld [tilespmem:s3+$0x60];
	_ =	sdelay $0x4  }
0x79: {  	[tilespmem:$0xA90] =	vst v1  }
0x7a: {  	v1 =	vld [tilespmem:s3+$0x70];
	_ =	sdelay $0x4  }
0x7b: {  	s14 =	sand.u32 $0x7F0, s3;
	[tilespmem:$0xAA0] =	vst v1  }
0x7c: {  	v1 =	vld [tilespmem:s14+$0x80];
	_ =	sdelay $0x4  }
0x7d: {  	[tilespmem:$0xAB0] =	vst v1  }
0x7e: {  	v1 =	vld [tilespmem:s3+$0x90];
	_ =	sdelay $0x4  }
0x7f: {  	[tilespmem:$0xAC0] =	vst v1  }
0x80: {  	v1 =	vld [tilespmem:s3+$0xA0];
	_ =	sdelay $0x4  }
0x81: {  	[tilespmem:$0xB00] =	vst v1  }
0x82: {  	v1 =	vld [tilespmem:s3+$0xB0];
	_ =	sdelay $0x4  }
0x83: {  	[tilespmem:$0xB10] =	vst v1  }
0x84: {  	v1 =	vld [tilespmem:s3+$0xC0];
	_ =	sdelay $0x4  }
0x85: {  	[tilespmem:$0xB20] =	vst v1  }
0x86: {  	v1 =	vld [tilespmem:s3+$0xD0];
	_ =	sdelay $0x4  }
0x87: {  	[tilespmem:$0xB30] =	vst v1  }
0x88: {  	v1 =	vld [tilespmem:s3+$0xE0];
	_ =	sdelay $0x4  }
0x89: {  	[tilespmem:$0xB40] =	vst v1  }
0x8a: {  	v1 =	vld [tilespmem:s3+$0xF0];
	_ =	sdelay $0x4  }
0x8b: {  	[tilespmem:$0xB80] =	vst v1  }
0x8c: {  	v1 =	vld [tilespmem:s14+$0x100];
	_ =	sdelay $0x4  }
0x8d: {  	[tilespmem:$0xB90] =	vst v1  }
0x8e: {  	v1 =	vld [tilespmem:s3+$0x110];
	_ =	sdelay $0x4  }
0x8f: {  	[tilespmem:$0xBA0] =	vst v1  }
0x90: {  	v1 =	vld [tilespmem:s3+$0x120];
	_ =	sdelay $0x4  }
0x91: {  	[tilespmem:$0xBB0] =	vst v1  }
0x92: {  	v1 =	vld [tilespmem:s3+$0x130];
	_ =	sdelay $0x4  }
0x93: {  	[tilespmem:$0xBC0] =	vst v1  }
0x94: {  	v1 =	vld [tilespmem:s3+$0x140];
	_ =	sdelay $0x4  }
0x95: {  	[tilespmem:$0xC00] =	vst v1  }
0x96: {  	v1 =	vld [tilespmem:s3+$0x150];
	_ =	sdelay $0x4  }
0x97: {  	[tilespmem:$0xC10] =	vst v1  }
0x98: {  	v1 =	vld [tilespmem:s3+$0x160];
	_ =	sdelay $0x1  }
0x99: {  	s15 =	sadd.s32 $0xFFFFFFFD, s29  }
0x9a: {  	p1 =	sgt.u32 s15, $0x79  }
0x9b: {  	s11 =	smul.u32 @!p1 $0xCD, s29  }
0x9c: {  	[tilespmem:$0xC20] =	vst v1  }
0x9d: {  	v1 =	vld [tilespmem:s3+$0x170];
	s3 =	sshrl.u32 @!p1 s11, $0xA  }
0x9e: {  	s3 =	sand.u32 @!p1 $0x3F, s3  }
0x9f: {  	s11 =	smul.u32 @!p1 $0x56, s3  }
0xa0: {  	p0 =	por p1, p1  }
0xa1: {  	s30 =	simm.s32 $0x200;
	s12 =	smul.u32 @!p0 $0x5, s3;
	s11 =	sshrl.u32 @!p0 s11, $0x8  }
0xa2: {  	s31 =	sadd.s32 $0x1, s29;
	s13 =	sand.u32 @!p1 $0x3, s29;
	[tilespmem:$0xC30] =	vst v1;
	s11 =	smul.u32 @!p0 $0x3, s11  }
0xa3: {  	s16 =	sand.u32 $0x3, s15;
	s13 =	smul.u32 @!p1 $0xA000, s13;
	s10 =	ssub.s32 @!p0 s29, s12;
	v1 =	vld [tilespmem:s14+$0x180]  }
0xa4: {  	s9 =	smul.u32 $0xA000, s16;
	s10 =	sand.u32 @!p0 $0xFF, s10;
	s3 =	ssub.s32 @!p0 s3, s11  }
0xa5: {  	s13 =	sshrl.u32 @!p0 s13, $0x2;
	s10 =	smul.u32 @!p0 $0x140, s10;
	s3 =	sand.u32 @!p0 $0xFF, s3  }
0xa6: {  	s1 =	sadd.s32 $0x1, s1;
	s13 =	sadd.s32 @!p0 $0xE00, s13;
	s11 =	smul.u32 @!p0 $0x640, s3  }
0xa7: {  	s12 =	simm.s32 @!p0 $0x50;
	s14 =	sshrl.u32 s9, $0x2;
	s9 =	sshrl.u32 @!p0 s10, $0x2  }
0xa8: {  	s3 =	simm.s32 $0x400;
	[tilespmem:$0xC40] =	vst v1;
	s10 =	sshrl.u32 @!p0 s11, $0x2;
	s11 =	sadd.s32 $0xFFFFFFFD, s31  }
0xa9: {  	_ =	swait.ge [sflag:s24], $0x2800;
	s9 =	sadd.s32 @!p0 s9, s10;
	s10 =	simm.s32 $0xA00  }
0xaa: {  	p2 =	sgt.u32 s11, $0x79;
	s9 =	sadd.s32 @!p0 $0x500, s9;
	[sflag:s24] =	ssyncset.done $0x0  }
0xab: {  	s15 =	smul.u32 @!p2 $0xCD, s31;
	s16 =	sand.u32 @!p2 $0x3, s31;
	[sflag:s24] =	ssyncadd.s32 $0xFFFFD800  }
0xac: {  	[tilespmem:s13], [sflag:$0x2] =	stream.indirect.gather @!p0 [hbm4b:s4+s12], $0x80, s9, s12, $0x2000b8;
	[tilespmem:$0x1EE00] =	vst v63  }
0xad: {  	s11 =	sand.u32 $0x3, s11;
	s13 =	sshrl.u32 @!p2 s15, $0xA;
	s9 =	smul.u32 @!p2 $0xA000, s16  }
0xae: {  	s12 =	smul.u32 $0xA000, s11;
	s11 =	sand.u32 @!p2 $0x3F, s13;
	s13 =	sadd.s32 $0xE00, s14  }
.LBB2_6:
0xaf: {  	s14 =	smul.u32 @!p2 $0x56, s11;
	s15 =	smov.u32 s30  }
0xb0: {  	s30 =	smov.u32 s3;
	s3 =	sadd.s32 $0x200, s3;
	p0 =	por p2, p2  }
0xb1: {  	[spmem:s5] =	stream.indirect.scatter.add.f32 [tilespmem:s13], [sflag:$0x3], $0x80, s10, s28, $0x2000b8;
	[tilespmem:$0x1EE00] =	vst v63  }
0xb2: {  	s13 =	smul.u32 @!p0 $0x5, s11;
	s10 =	sshrl.u32 @!p0 s14, $0x8;
	_ =	swait.ge [sflag:s25], $0x2800  }
0xb3: {  	s14 =	sshrl.u32 s12, $0x2;
	s10 =	smul.u32 @!p0 $0x3, s10;
	[sflag:s25] =	ssyncset.done $0x0  }
0xb4: {  	p1 =	seq.s32 s3, $0xA00;
	s12 =	ssub.s32 @!p0 s31, s13;
	[sflag:s25] =	ssyncadd.s32 $0xFFFFD800  }
0xb5: {  	s10 =	ssub.s32 @!p0 s11, s10;
	s11 =	sand.u32 @!p0 $0xFF, s12  }
0xb6: {  	s10 =	sand.u32 @!p0 $0xFF, s10;
	s11 =	smul.u32 @!p0 $0x140, s11  }
0xb7: {  	s10 =	smul.u32 @!p0 $0x640, s10  }
0xb8: {  	s9 =	sshrl.u32 @!p0 s9, $0x2;
	s12 =	simm.s32 @!p0 $0x50;
	s11 =	sshrl.u32 @!p0 s11, $0x2  }
0xb9: {  	s13 =	sshra.s32 s15, $0x2;
	s31 =	sadd.s32 $0x1, s31;
	s10 =	sshrl.u32 @!p0 s10, $0x2  }
0xba: {  	_ =	swait.ge [sflag:s24], $0x2800;
	s11 =	sadd.s32 @!p0 s11, s10;
	s10 =	sadd.s32 $0xA00, s13  }
0xbb: {  	s9 =	sadd.s32 @!p0 $0xE00, s9;
	s13 =	sadd.s32 $0xFFFFFFFD, s31;
	s11 =	sadd.s32 @!p0 $0x500, s11  }
.Ltmp1:
0xbc: {  	p2 =	sgt.u32 s13, $0x79;
	[sflag:s24] =	ssyncset.done $0x0;
	(pc) =	sbr.rel @!p1 .LBB2_6-.Ltmp1, $4  }
0xbd: {  	s15 =	smul.u32 @!p2 $0xCD, s31;
	s16 =	sand.u32 @!p2 $0x3, s31;
	[sflag:s24] =	ssyncadd.s32 $0xFFFFD800  }
0xbe: {  	[tilespmem:s9], [sflag:$0x2] =	stream.indirect.gather @!p0 [hbm4b:s4+s12], $0x80, s11, s12, $0x2000b8;
	[tilespmem:$0x1EE00] =	vst v63  }
0xbf: {  	s11 =	sand.u32 $0x3, s13;
	s13 =	sshrl.u32 @!p2 s15, $0xA;
	s9 =	smul.u32 @!p2 $0xA000, s16  }
0xc0: {  	s12 =	smul.u32 $0xA000, s11;
	s11 =	sand.u32 @!p2 $0x3F, s13;
	s13 =	sadd.s32 $0xE00, s14  }
0xc1: {  	s3 =	smul.u32 @!p2 $0x56, s11;
	p0 =	por p2, p2  }
0xc2: {  	[spmem:s5] =	stream.indirect.scatter.add.f32 [tilespmem:s13], [sflag:$0x3], $0x80, s10, s28, $0x2000b8;
	[tilespmem:$0x1EE00] =	vst v63  }
0xc3: {  	s10 =	smul.u32 @!p0 $0x5, s11;
	s3 =	sshrl.u32 @!p0 s3, $0x8  }
0xc4: {  	s3 =	smul.u32 @!p0 $0x3, s3  }
0xc5: {  	s10 =	ssub.s32 @!p0 s31, s10  }
0xc6: {  	s10 =	sand.u32 @!p0 $0xFF, s10;
	s3 =	ssub.s32 @!p0 s11, s3  }
0xc7: {  	_ =	swait.ge [sflag:s25], $0x2800;
	s10 =	smul.u32 @!p0 $0x140, s10;
	s3 =	sand.u32 @!p0 $0xFF, s3  }
0xc8: {  	s16 =	sshra.s32 s30, $0x2;
	[sflag:s25] =	ssyncset.done $0x0;
	s3 =	smul.u32 @!p0 $0x640, s3  }
0xc9: {  	s15 =	sshrl.u32 s12, $0x2;
	s12 =	simm.s32 @!p0 $0x50;
	[sflag:s25] =	ssyncadd.s32 $0xFFFFD800  }
0xca: {  	_ =	swait.ge [sflag:s24], $0x2800;
	s10 =	sshrl.u32 @!p0 s10, $0x2;
	s3 =	sshrl.u32 @!p0 s3, $0x2  }
0xcb: {  	s9 =	sshrl.u32 @!p0 s9, $0x2;
	[sflag:s24] =	ssyncset.done $0x0;
	s3 =	sadd.s32 @!p0 s10, s3  }
0xcc: {  	s9 =	sadd.s32 @!p0 $0xE00, s9;
	[sflag:s24] =	ssyncadd.s32 $0xFFFFD800;
	s3 =	sadd.s32 @!p0 $0x500, s3  }
0xcd: {  	[tilespmem:s9], [sflag:$0x2] =	stream.indirect.gather @!p0 [hbm4b:s4+s12], $0x80, s3, s12, $0x2000b8;
	[tilespmem:$0x1EE00] =	vst v63  }
0xce: {  	s30 =	sadd.s32 $0xA00, s16;
	s31 =	sadd.s32 $0xE00, s15  }
0xcf: {  	[spmem:s5] =	stream.indirect.scatter.add.f32 [tilespmem:s31], [sflag:$0x3], $0x80, s30, s28, $0x2000b8;
	[tilespmem:$0x1EE00] =	vst v63  }
0xd0: {  	_ =	swait.ge [sflag:s25], $0x2800  }
0xd1: {  	[sflag:s25] =	ssyncset.done $0x0  }
0xd2: {  	[sflag:s25] =	ssyncadd.s32 $0xFFFFD800  }
0xd3: {  	p0 =	seq.s32 s1, $0x19  }
.Ltmp2:
0xd4: {  	_ = 	snop;
	(pc) =	sbr.rel @!p0 .LBB2_5-.Ltmp2, $2  }
0xd5: {  	_ =	sdelay $0x2  }
0xd6: {  	s29 =	sadd.s32 $0x5, s29  }
0xd7: {  	_ =	strace $0x90000049;
	s1 =	stileid.u32;
	s3 =	sshrl.u32 s8, $0x3  }
0xd8: {  	s6 =	sadd.s32 $0x1, s6;
	_ =	strace $0x8000004A;
	s1 =	sshll.u32 s1, $0x6  }
0xd9: {  	p0 =	sne.s32 s6, s21;
	[bflag:$0x0] =	sbarrier.arrive $0xFFFF;
	s1 =	sor.u32 $0x1C03, s1  }
0xda: {  	[hbm:s20], [sflag:s1] =	dma.local [spmem:s3], $0x2800  }
.Ltmp3:
0xdb: {  	_ = 	snop;
	(pc) =	sbr.rel @p0 .LBB2_1-.Ltmp3, $4  }
0xdc: {  	_ =	swait.ge [sflag:s25], $0x2800  }
0xdd: {  	[sflag:s25] =	ssyncset.done $0x0  }
0xde: {  	[sflag:s25] =	ssyncadd.s32 $0xFFFFD800  }
0xdf: {  	_ =	strace $0x9000004A  }
0xe0: {  	_ =	sfence.sel $0x180000  }
0xe1: {  	[bflag:$0x0] =	sbarrier.arrive $0xFFFF  }
0xe2: {  	_ =	strace $0x90000047  }
0xe3: {  	s0 =	stileid.u32;
	[bflag:$0x2] =	sbarrier.arrive $0xFFFF  }
0xe4: {  	p0 =	sne.s32 s0, $0x0;
	s0 =	rddreg [dreg:$0x4]  }
0xe5: {  	s0 =	sadd.s32 @!p0 $0x100000, s0  }
0xe6: {  	[sflag:s0] =	ssyncadd.tile.s32 @!p0 $0x1;
	_ =	shalt  }
.Lfunc_end2:
_tile_overlayer_lowered:
.L_overlay_start_2:
0xe7: {  	(tag) =	ssettag $0x2  }
0xe8: {  	s0 =	rddreg [dreg:$0x0];
	s2 =	stileid.u32  }
0xe9: {  	s1 =	rddreg [dreg:$0x1];
	p0 =	sne.s32 s2, $0x0  }
0xea: {  	s3 =	rddreg [dreg:$0x2];
	[bflag:$0x3] =	sbarrier.arrive $0xFFFF;
	s2 =	simm.s32 @!p0 $0x1C03  }
0xeb: {  	[timem:s3], [sflag:s2] =	dma.local @!p0 [hbm:s0], s1  }
0xec: {  	s0 =	simm.s32 @!p0 $0x3  }
0xed: {  	_ =	swait.ge @!p0 [sflag:s0], s1  }
0xee: {  	s1 =	ssub.s32 @!p0 $0x0, s1;
	[sflag:s0] =	ssyncset.done @!p0 $0x0  }
0xef: {  	[sflag:s0] =	ssyncadd.s32 @!p0 s1  }
0xf0: {  	[bflag:$0x3] =	sbarrier.arrive $0xFFFF  }
0xf1: {  	_ =	shalt  }

</sc_bundles>
